<compile_context>
chip_gen: v7x
topology: tpu7x:2x2x1
jax: 0.10.2.dev20260603
libtpu: 0.0.44.dev20260713+nightly
codegen_flags: <defaults>
</compile_context>

<pallas_src>
import functools

import jax
import jax.numpy as jnp
from jax import lax
from jax.experimental import pallas as pl
from jax.experimental.pallas import tpu as pltpu
from jax.experimental.pallas import tpu_sc as plsc

_NC = 2
_NS = 16
_NW = _NC * _NS
_C = 80


def _sc_degree(dst1, halves, n_pad):
    e = dst1.shape[0]
    epw = e // _NW
    niter = epw // _C
    rps = n_pad // _NS
    zc = rps // 2
    ring = 8
    mesh = plsc.VectorSubcoreMesh(core_axis_name="c", subcore_axis_name="s")

    @functools.partial(
        pl.kernel,
        out_type=jax.ShapeDtypeStruct((_NC, n_pad, 16), jnp.float32),
        mesh=mesh,
        scratch_types=[
            pltpu.VMEM((ring, _C), jnp.int32),
            pltpu.VMEM((epw,), jnp.int32),
            pltpu.VMEM((_C, 16), jnp.float32),
            pltpu.VMEM_SHARED((n_pad, 16), jnp.float32),
            pltpu.SemaphoreType.DMA,
        ],
    )
    def k(dst_hbm, half_hbm, out_hbm, dv, dv1, ones_v, acc, dsem):
        ci = lax.axis_index("c")
        si = lax.axis_index("s")
        wid = si * _NC + ci
        base = wid * epw

        def fill_ones(i, _):
            ones_v[i, :] = jnp.full((16,), 1.0, jnp.float32)
            return 0

        lax.fori_loop(0, _C, fill_ones, 0)

        pltpu.sync_copy(half_hbm, acc.at[pl.ds(si * rps, rps)])
        pltpu.sync_copy(dst_hbm.at[pl.ds(base, epw)], dv1)
        plsc.subcore_barrier()

        def body(j, _):
            slot = lax.rem(j, ring)

            @pl.when(j >= ring)
            def _():
                pltpu.make_async_copy(
                    ones_v, acc.at[dv.at[slot]], dsem).wait()

            for q in range(_C // 16):
                dv[slot, pl.ds(q * 16, 16)] = dv1[pl.ds(j * _C + q * 16, 16)]
            pltpu.async_copy(ones_v, acc.at[dv.at[slot]], dsem, add=True)
            return 0

        lax.fori_loop(0, niter, body, 0)

        def drain(j, _):
            slot = lax.rem(j, ring)
            pltpu.make_async_copy(ones_v, acc.at[dv.at[slot]], dsem).wait()
            return 0

        lax.fori_loop(niter - ring, niter, drain, 0)
        plsc.subcore_barrier()
        pltpu.sync_copy(acc.at[pl.ds(si * rps, rps)],
                        out_hbm.at[ci, pl.ds(si * rps, rps)])

    return k(dst1, halves)


def _sc_scatter(g, src1, dst1, zrows, n_pad, h):
    e = src1.shape[0]
    epw = e // _NW
    niter = epw // _C
    rps = n_pad // _NS
    mesh = plsc.VectorSubcoreMesh(core_axis_name="c", subcore_axis_name="s")

    @functools.partial(
        pl.kernel,
        out_type=jax.ShapeDtypeStruct((_NC, n_pad, h), jnp.float32),
        mesh=mesh,
        scratch_types=[
            pltpu.VMEM((epw,), jnp.int32),
            pltpu.VMEM((epw,), jnp.int32),
            pltpu.VMEM((2, _C), jnp.int32),
            pltpu.VMEM((_C, h), jnp.float32),
            pltpu.VMEM((_C, h), jnp.float32),
            pltpu.VMEM_SHARED((n_pad, h), jnp.float32),
            pltpu.SemaphoreType.DMA,
            pltpu.SemaphoreType.DMA,
        ],
    )
    def k(g_hbm, src_hbm, dst_hbm, z_hbm, out_hbm, sv1, dv1, ds2, rb0, rb1,
          acc, gsem0, gsem1):
        ci = lax.axis_index("c")
        si = lax.axis_index("s")
        wid = si * _NC + ci
        base = wid * epw

        @pl.when(ci == 0)
        def _():
            pltpu.sync_copy(g_hbm.at[pl.ds(si * rps, rps)],
                            acc.at[pl.ds(si * rps, rps)])

        @pl.when(ci != 0)
        def _():
            pltpu.sync_copy(z_hbm, acc.at[pl.ds(si * rps, rps)])

        pltpu.sync_copy(src_hbm.at[pl.ds(base, epw)], sv1)
        pltpu.sync_copy(dst_hbm.at[pl.ds(base, epw)], dv1)
        plsc.subcore_barrier()

        def gidx(j):
            return sv1.at[pl.ds(j * _C, _C)]

        def stage_didx(j, parity):
            for q in range(_C // 16):
                ds2[parity, pl.ds(q * 16, 16)] = dv1[pl.ds(j * _C + q * 16,
                                                           16)]

        pltpu.async_copy(g_hbm.at[gidx(0)], rb0, gsem0)

        def body(i, _):
            j0 = 2 * i
            pltpu.async_copy(g_hbm.at[gidx(j0 + 1)], rb1, gsem1)
            stage_didx(j0, 0)
            pltpu.make_async_copy(g_hbm.at[gidx(j0)], rb0, gsem0).wait()
            pltpu.sync_copy(rb0, acc.at[ds2.at[0]], add=True)
            pltpu.async_copy(g_hbm.at[gidx(j0 + 2)], rb0, gsem0)
            stage_didx(j0 + 1, 1)
            pltpu.make_async_copy(g_hbm.at[gidx(j0 + 1)], rb1, gsem1).wait()
            pltpu.sync_copy(rb1, acc.at[ds2.at[1]], add=True)
            return 0

        lax.fori_loop(0, (niter - 1) // 2, body, 0)
        stage_didx(niter - 1, 0)
        pltpu.make_async_copy(g_hbm.at[gidx(niter - 1)], rb0, gsem0).wait()
        pltpu.sync_copy(rb0, acc.at[ds2.at[0]], add=True)

        plsc.subcore_barrier()
        pltpu.sync_copy(acc.at[pl.ds(si * rps, rps)],
                        out_hbm.at[ci, pl.ds(si * rps, rps)])

    return k(g, src1, dst1, zrows)


def _dinv_block(deg_ref):
    deg = deg_ref[0, :, 0:1] + deg_ref[1, :, 0:1]
    return lax.rsqrt(deg)


def _tc_first(deg_p, x, w1, bn):
    n_pad = deg_p.shape[1]
    d = x.shape[1]
    h = w1.shape[1]

    def body(deg_ref, x_ref, w_ref, g_ref):
        dinv = _dinv_block(deg_ref)
        hm = jnp.dot(x_ref[...], w_ref[...], preferred_element_type=jnp.float32)
        g_ref[...] = hm * dinv

    return pl.pallas_call(
        body,
        grid=(n_pad // bn,),
        in_specs=[
            pl.BlockSpec((_NC, bn, 16), lambda i: (0, i, 0)),
            pl.BlockSpec((bn, d), lambda i: (i, 0)),
            pl.BlockSpec((d, h), lambda i: (0, 0)),
        ],
        out_specs=pl.BlockSpec((bn, h), lambda i: (i, 0)),
        out_shape=jax.ShapeDtypeStruct((n_pad, h), jnp.float32),
    )(deg_p, x, w1)


def _tc_mid(deg_p, p, b, w2, bn):
    _, n_pad, h = p.shape
    h2 = w2.shape[1]

    def body(deg_ref, p_ref, b_ref, w_ref, g_ref):
        dinv = _dinv_block(deg_ref)
        f = jnp.maximum((p_ref[0] + p_ref[1]) * dinv + b_ref[...], 0.0)
        g_ref[...] = jnp.dot(f, w_ref[...],
                             preferred_element_type=jnp.float32) * dinv

    return pl.pallas_call(
        body,
        grid=(n_pad // bn,),
        in_specs=[
            pl.BlockSpec((_NC, bn, 16), lambda i: (0, i, 0)),
            pl.BlockSpec((_NC, bn, h), lambda i: (0, i, 0)),
            pl.BlockSpec((1, h), lambda i: (0, 0)),
            pl.BlockSpec((h, h2), lambda i: (0, 0)),
        ],
        out_specs=pl.BlockSpec((bn, h2), lambda i: (i, 0)),
        out_shape=jax.ShapeDtypeStruct((n_pad, h2), jnp.float32),
    )(deg_p, p, b, w2)


def _tc_last(deg_p, p, b, wc, bc, n, bn):
    _, n_pad, h = p.shape
    o = wc.shape[1]

    def body(deg_ref, p_ref, b_ref, w_ref, bc_ref, o_ref):
        dinv = _dinv_block(deg_ref)
        f = jnp.maximum((p_ref[0] + p_ref[1]) * dinv + b_ref[...], 0.0)
        o_ref[...] = jnp.dot(f, w_ref[...],
                             preferred_element_type=jnp.float32) + bc_ref[...]

    return pl.pallas_call(
        body,
        grid=(n // bn,),
        in_specs=[
            pl.BlockSpec((_NC, bn, 16), lambda i: (0, i, 0)),
            pl.BlockSpec((_NC, bn, h), lambda i: (0, i, 0)),
            pl.BlockSpec((1, h), lambda i: (0, 0)),
            pl.BlockSpec((h, o), lambda i: (0, 0)),
            pl.BlockSpec((1, o), lambda i: (0, 0)),
        ],
        out_specs=pl.BlockSpec((bn, o), lambda i: (i, 0)),
        out_shape=jax.ShapeDtypeStruct((n, o), jnp.float32),
    )(deg_p, p, b, wc, bc)


def kernel(x, edge_index, W1, b1, W2, b2, Wc, bc):
    n, d = x.shape
    e = edge_index.shape[1]
    h = W1.shape[1]
    epw = e // _NW
    niter = epw // _C
    n_pad = ((n + _NS * 8 - 1) // (_NS * 8)) * (_NS * 8)
    assert epw * _NW == e and niter * _C == epw and niter % 2 == 1

    src1 = edge_index[0]
    dst1 = edge_index[1]
    zrows = jnp.zeros((n_pad // _NS, h), jnp.float32)
    halves = jnp.full((n_pad // _NS, 16), 0.5, jnp.float32)

    deg_p = _sc_degree(dst1, halves, n_pad)
    g1 = _tc_first(deg_p, x, W1, bn=n_pad // 16)
    p1 = _sc_scatter(g1, src1, dst1, zrows, n_pad, h)
    g2 = _tc_mid(deg_p, p1, b1.reshape(1, -1), W2, bn=n_pad // 16)
    p2 = _sc_scatter(g2, src1, dst1, zrows, n_pad, h)
    return _tc_last(deg_p, p2, b2.reshape(1, -1), Wc, bc.reshape(1, -1),
                    n, bn=1000)

# --- scband reference (transcript-rebuilt; emitter-appended) ---
"""Pipeline reference for scband-gcnnet-38637525795005 (READ-ONLY COPY).

The authoritative reference and input builder live on the scoring server;
editing this copy changes nothing except your own understanding.
"""

import jax, jax.numpy as jnp
import numpy as np

N = 10000
E = 320000
D = 128
H = 128
O = 64


def _glorot(key, shape):
    fan_in, fan_out = shape[0], shape[1]
    limit = float(np.sqrt(6.0 / (fan_in + fan_out)))
    return jax.random.uniform(key, shape, dtype=jnp.float32, minval=-limit, maxval=limit)


def setup_inputs(seed: int = 0) -> dict:
    key = jax.random.key(seed)
    ks = jax.random.split(key, 8)
    x = jax.random.normal(ks[0], (N, D), dtype=jnp.float32)
    edge_index = jax.random.randint(ks[1], (2, E), 0, N, dtype=jnp.int32)
    W1 = _glorot(ks[2], (D, H))
    b1 = jnp.zeros((H,), dtype=jnp.float32)
    W2 = _glorot(ks[3], (H, H))
    b2 = jnp.zeros((H,), dtype=jnp.float32)
    Wc = _glorot(ks[4], (H, O))
    bc = jnp.zeros((O,), dtype=jnp.float32)
    return {"x": x, "edge_index": edge_index, "W1": W1, "b1": b1, "W2": W2, "b2": b2, "Wc": Wc, "bc": bc}


def _gcn_conv(x, src, dst, W, b):
    n = x.shape[0]
    # add self loops
    loop = jnp.arange(n, dtype=src.dtype)
    s = jnp.concatenate([src, loop])
    d = jnp.concatenate([dst, loop])
    deg = jnp.zeros((n,), dtype=jnp.float32).at[d].add(1.0)
    dinv = jnp.where(deg > 0, deg ** -0.5, 0.0)
    norm = dinv[s] * dinv[d]
    h = x @ W
    msg = h[s] * norm[:, None]
    out = jnp.zeros((n, W.shape[1]), dtype=jnp.float32).at[d].add(msg)
    return out + b


def reference(x, edge_index, W1, b1, W2, b2, Wc, bc):
    src = edge_index[0]
    dst = edge_index[1]
    h = _gcn_conv(x, src, dst, W1, b1)
    h = jax.nn.relu(h)
    # dropout is identity in eval mode
    h = _gcn_conv(h, src, dst, W2, b2)
    h = jax.nn.relu(h)
    # task='node' -> no global pooling
    return h @ Wc + bc

if __name__ == "__main__":
    import jax
    _d = setup_inputs()
    print(jax.jit(kernel)(*tuple(_d.values())))

</pallas_src>

<mosaic_0001>
#map = affine_map<(d0, d1) -> (0, 0)>
#map1 = affine_map<(d0, d1) -> (0)>
#map2 = affine_map<(d0, d1) -> (0, 0, 0)>
module attributes {stable_mosaic.version = 14 : i64} {
  func.func @k(%arg0: i32, %arg1: i32, %arg2: memref<10112x128xf32, #tpu.memory_space<hbm>>, %arg3: memref<320000xi32, #tpu.memory_space<hbm>>, %arg4: memref<320000xi32, #tpu.memory_space<hbm>>, %arg5: memref<632x128xf32, #tpu.memory_space<hbm>>, %arg6: memref<2x10112x128xf32, #tpu.memory_space<hbm>>, %arg7: memref<10000xi32, #tpu.memory_space<vmem>>, %arg8: memref<10000xi32, #tpu.memory_space<vmem>>, %arg9: memref<2x80xi32, #tpu.memory_space<vmem>>, %arg10: memref<80x128xf32, #tpu.memory_space<vmem>>, %arg11: memref<80x128xf32, #tpu.memory_space<vmem>>, %arg12: memref<10112x128xf32, #tpu.memory_space<vmem_shared>>, %arg13: memref<!tpu.dma_semaphore, #tpu.memory_space<semaphore_mem>>, %arg14: memref<!tpu.dma_semaphore, #tpu.memory_space<semaphore_mem>>) attributes {dimension_semantics = [#tpu.dimension_semantics<core_parallel>, #tpu.dimension_semantics<subcore_parallel>], iteration_bounds = array<i64: 2, 16>, scalar_prefetch = 0 : i64, scratch_operands = 8 : i64, tpu.core_type = #tpu.core_type<sc_vector_subcore>, window_params = [{transform_indices = #map}, {transform_indices = #map1}, {transform_indices = #map1}, {transform_indices = #map}, {transform_indices = #map2}]} {
    %mul3A = arith.constant 2 : i32
    %mul3A_0 = arith.muli %arg1, %mul3A : i32
    %add3A = arith.addi %mul3A_0, %arg0 : i32
    %mul3A_1 = arith.constant 10000 : i32
    %mul3A_2 = arith.muli %add3A, %mul3A_1 : i32
    %eq3A = arith.constant 0 : i32
    %eq3A_3 = arith.cmpi eq, %arg0, %eq3A : i32
    %convert_element_type3A = arith.extui %eq3A_3 : i1 to i32
    %cond3A = arith.constant 0 : i32
    %cond3A_4 = arith.cmpi ne, %convert_element_type3A, %cond3A : i32
    scf.if %cond3A_4 {
      %mul3A_71 = arith.constant 632 : i32
      %mul3A_72 = arith.muli %arg1, %mul3A_71 : i32
      %mul3A_73 = arith.constant 632 : i32
      %mul3A_74 = arith.muli %arg1, %mul3A_73 : i32
      "tpu.region"() ({
        %run_scoped3A_75 = tpu.sem_alloc : memref<!tpu.dma_semaphore, #tpu.memory_space<semaphore_mem>>
        %dma_start3A_76 = arith.constant 0 : i32
        %dma_start3A_77 = tpu.memref_slice %arg12[%mul3A_74, %dma_start3A_76] : memref<10112x128xf32, #tpu.memory_space<vmem_shared>> -> memref<632x128xf32, #tpu.memory_space<vmem_shared>>
        %dma_start3A_78 = arith.constant 0 : i32
        %dma_start3A_79 = tpu.memref_slice %arg2[%mul3A_72, %dma_start3A_78] : memref<10112x128xf32, #tpu.memory_space<hbm>> -> memref<632x128xf32, #tpu.memory_space<hbm>>
        tpu.enqueue_dma source(%dma_start3A_79 : memref<632x128xf32, #tpu.memory_space<hbm>>) target(%dma_start3A_77 : memref<632x128xf32, #tpu.memory_space<vmem_shared>>) target_semaphore(%run_scoped3A_75 : memref<!tpu.dma_semaphore, #tpu.memory_space<semaphore_mem>>)
        %dma_wait3A_80 = arith.constant 0 : i32
        %dma_wait3A_81 = tpu.memref_slice %arg12[%mul3A_74, %dma_wait3A_80] : memref<10112x128xf32, #tpu.memory_space<vmem_shared>> -> memref<632x128xf32, #tpu.memory_space<vmem_shared>>
        %dma_wait3A_82 = arith.constant 0 : i32
        %dma_wait3A_83 = tpu.memref_slice %arg2[%mul3A_72, %dma_wait3A_82] : memref<10112x128xf32, #tpu.memory_space<hbm>> -> memref<632x128xf32, #tpu.memory_space<hbm>>
        tpu.wait_dma2 semaphore(%run_scoped3A_75 : memref<!tpu.dma_semaphore, #tpu.memory_space<semaphore_mem>>) src(%dma_wait3A_83 : memref<632x128xf32, #tpu.memory_space<hbm>>) dst(%dma_wait3A_81 : memref<632x128xf32, #tpu.memory_space<vmem_shared>>)
        tpu.yield
      }) : () -> ()
    } else {
    }
    %ne3A = arith.constant 0 : i32
    %ne3A_5 = arith.cmpi ne, %arg0, %ne3A : i32
    %convert_element_type3A_6 = arith.extui %ne3A_5 : i1 to i32
    %cond3A_7 = arith.constant 0 : i32
    %cond3A_8 = arith.cmpi ne, %convert_element_type3A_6, %cond3A_7 : i32
    scf.if %cond3A_8 {
      %mul3A_71 = arith.constant 632 : i32
      %mul3A_72 = arith.muli %arg1, %mul3A_71 : i32
      "tpu.region"() ({
        %run_scoped3A_73 = tpu.sem_alloc : memref<!tpu.dma_semaphore, #tpu.memory_space<semaphore_mem>>
        %dma_start3A_74 = arith.constant 0 : i32
        %dma_start3A_75 = tpu.memref_slice %arg12[%mul3A_72, %dma_start3A_74] : memref<10112x128xf32, #tpu.memory_space<vmem_shared>> -> memref<632x128xf32, #tpu.memory_space<vmem_shared>>
        tpu.enqueue_dma source(%arg5 : memref<632x128xf32, #tpu.memory_space<hbm>>) target(%dma_start3A_75 : memref<632x128xf32, #tpu.memory_space<vmem_shared>>) target_semaphore(%run_scoped3A_73 : memref<!tpu.dma_semaphore, #tpu.memory_space<semaphore_mem>>)
        %dma_wait3A_76 = arith.constant 0 : i32
        %dma_wait3A_77 = tpu.memref_slice %arg12[%mul3A_72, %dma_wait3A_76] : memref<10112x128xf32, #tpu.memory_space<vmem_shared>> -> memref<632x128xf32, #tpu.memory_space<vmem_shared>>
        tpu.wait_dma2 semaphore(%run_scoped3A_73 : memref<!tpu.dma_semaphore, #tpu.memory_space<semaphore_mem>>) src(%arg5 : memref<632x128xf32, #tpu.memory_space<hbm>>) dst(%dma_wait3A_77 : memref<632x128xf32, #tpu.memory_space<vmem_shared>>)
        tpu.yield
      }) : () -> ()
    } else {
    }
    "tpu.region"() ({
      %run_scoped3A_71 = tpu.sem_alloc : memref<!tpu.dma_semaphore, #tpu.memory_space<semaphore_mem>>
      %dma_start3A_72 = tpu.memref_slice %arg3[%mul3A_2] : memref<320000xi32, #tpu.memory_space<hbm>> -> memref<10000xi32, #tpu.memory_space<hbm>>
      %dma_start3A_73 = tpu.memref_slice %arg3[%mul3A_2] : memref<320000xi32, #tpu.memory_space<hbm>> -> memref<10000xi32, #tpu.memory_space<hbm>>
      tpu.enqueue_dma source(%dma_start3A_73 : memref<10000xi32, #tpu.memory_space<hbm>>) target(%arg7 : memref<10000xi32, #tpu.memory_space<vmem>>) target_semaphore(%run_scoped3A_71 : memref<!tpu.dma_semaphore, #tpu.memory_space<semaphore_mem>>)
      %dma_wait3A_74 = tpu.memref_slice %arg3[%mul3A_2] : memref<320000xi32, #tpu.memory_space<hbm>> -> memref<10000xi32, #tpu.memory_space<hbm>>
      %dma_wait3A_75 = tpu.memref_slice %arg3[%mul3A_2] : memref<320000xi32, #tpu.memory_space<hbm>> -> memref<10000xi32, #tpu.memory_space<hbm>>
      tpu.wait_dma2 semaphore(%run_scoped3A_71 : memref<!tpu.dma_semaphore, #tpu.memory_space<semaphore_mem>>) src(%dma_wait3A_75 : memref<10000xi32, #tpu.memory_space<hbm>>) dst(%arg7 : memref<10000xi32, #tpu.memory_space<vmem>>)
      tpu.yield
    }) : () -> ()
    "tpu.region"() ({
      %run_scoped3A_71 = tpu.sem_alloc : memref<!tpu.dma_semaphore, #tpu.memory_space<semaphore_mem>>
      %dma_start3A_72 = tpu.memref_slice %arg4[%mul3A_2] : memref<320000xi32, #tpu.memory_space<hbm>> -> memref<10000xi32, #tpu.memory_space<hbm>>
      %dma_start3A_73 = tpu.memref_slice %arg4[%mul3A_2] : memref<320000xi32, #tpu.memory_space<hbm>> -> memref<10000xi32, #tpu.memory_space<hbm>>
      tpu.enqueue_dma source(%dma_start3A_73 : memref<10000xi32, #tpu.memory_space<hbm>>) target(%arg8 : memref<10000xi32, #tpu.memory_space<vmem>>) target_semaphore(%run_scoped3A_71 : memref<!tpu.dma_semaphore, #tpu.memory_space<semaphore_mem>>)
      %dma_wait3A_74 = tpu.memref_slice %arg4[%mul3A_2] : memref<320000xi32, #tpu.memory_space<hbm>> -> memref<10000xi32, #tpu.memory_space<hbm>>
      %dma_wait3A_75 = tpu.memref_slice %arg4[%mul3A_2] : memref<320000xi32, #tpu.memory_space<hbm>> -> memref<10000xi32, #tpu.memory_space<hbm>>
      tpu.wait_dma2 semaphore(%run_scoped3A_71 : memref<!tpu.dma_semaphore, #tpu.memory_space<semaphore_mem>>) src(%dma_wait3A_75 : memref<10000xi32, #tpu.memory_space<hbm>>) dst(%arg8 : memref<10000xi32, #tpu.memory_space<vmem>>)
      tpu.yield
    }) : () -> ()
    %barrier3A = arith.constant 0 : index
    tpu.barrier barrier_id(%barrier3A)
    %dma_start3A = arith.constant 0 : i32
    %dma_start3A_9 = tpu.memref_slice %arg7[%dma_start3A] : memref<10000xi32, #tpu.memory_space<vmem>> -> memref<80xi32, #tpu.memory_space<vmem>>
    %dma_start3A_10 = arith.constant 0 : i32
    %dma_start3A_11 = arith.constant 0 : i32
    %dma_start3A_12 = tpu.memref_slice %arg2[%dma_start3A_10, %dma_start3A_11] : memref<10112x128xf32, #tpu.memory_space<hbm>> -> memref<10112x128xf32, #tpu.memory_space<hbm>>
    tpu.enqueue_indirect_dma source(%dma_start3A_12 : memref<10112x128xf32, #tpu.memory_space<hbm>>) target(%arg10 : memref<80x128xf32, #tpu.memory_space<vmem>>) offsets(%dma_start3A_9 : memref<80xi32, #tpu.memory_space<vmem>>) semaphore(%arg13 : memref<!tpu.dma_semaphore, #tpu.memory_space<semaphore_mem>>)
    %scan3A = arith.constant 0 : i32
    %scan3A_13 = arith.constant 0 : i32
    %scan3A_14 = arith.constant 62 : i32
    %scan3A_15 = arith.addi %scan3A_13, %scan3A_14 : i32
    %scan3A_16 = arith.constant 1 : i32
    %scan3A_17 = scf.for %scan3A_71 = %scan3A_13 to %scan3A_15 step %scan3A_16 iter_args(%scan3A_72 = %scan3A) -> (i32)  : i32 {
      %mul3A_73 = arith.constant 2 : i32
      %mul3A_74 = arith.muli %mul3A_73, %scan3A_71 : i32
      %add3A_75 = arith.constant 1 : i32
      %add3A_76 = arith.addi %mul3A_74, %add3A_75 : i32
      %mul3A_77 = arith.constant 80 : i32
      %mul3A_78 = arith.muli %add3A_76, %mul3A_77 : i32
      %dma_start3A_79 = tpu.memref_slice %arg7[%mul3A_78] : memref<10000xi32, #tpu.memory_space<vmem>> -> memref<80xi32, #tpu.memory_space<vmem>>
      %dma_start3A_80 = arith.constant 0 : i32
      %dma_start3A_81 = arith.constant 0 : i32
      %dma_start3A_82 = tpu.memref_slice %arg2[%dma_start3A_80, %dma_start3A_81] : memref<10112x128xf32, #tpu.memory_space<hbm>> -> memref<10112x128xf32, #tpu.memory_space<hbm>>
      tpu.enqueue_indirect_dma source(%dma_start3A_82 : memref<10112x128xf32, #tpu.memory_space<hbm>>) target(%arg11 : memref<80x128xf32, #tpu.memory_space<vmem>>) offsets(%dma_start3A_79 : memref<80xi32, #tpu.memory_space<vmem>>) semaphore(%arg14 : memref<!tpu.dma_semaphore, #tpu.memory_space<semaphore_mem>>)
      %mul3A_83 = arith.constant 80 : i32
      %mul3A_84 = arith.muli %mul3A_74, %mul3A_83 : i32
      %add3A_85 = arith.constant 0 : i32
      %add3A_86 = arith.addi %mul3A_84, %add3A_85 : i32
      %get3A_87 = arith.index_cast %add3A_86 : i32 to index
      %get3A_88 = tpu.vector_load %arg8[%get3A_87] {strides = array<i32>} : memref<10000xi32, #tpu.memory_space<vmem>>, vector<16xi32>,
      %get3A_89 = vector.shape_cast %get3A_88 : vector<16xi32> to vector<16xi32>
      %swap3A_90 = arith.constant 0 : i32
      %swap3A_91 = arith.index_cast %swap3A_90 : i32 to index
      %swap3A_92 = arith.constant 0 : index
      %swap3A_93 = tpu.vector_load %arg9[%swap3A_91, %swap3A_92] {strides = array<i32>} : memref<2x80xi32, #tpu.memory_space<vmem>>, vector<1x16xi32>,
      %swap3A_94 = vector.shape_cast %swap3A_93 : vector<1x16xi32> to vector<16xi32>
      %swap3A_95 = vector.shape_cast %get3A_89 : vector<16xi32> to vector<1x16xi32>
      tpu.vector_store %arg9[%swap3A_91, %swap3A_92], %swap3A_95 {strides = array<i32>} : memref<2x80xi32, #tpu.memory_space<vmem>>, vector<1x16xi32>,
      %mul3A_96 = arith.constant 80 : i32
      %mul3A_97 = arith.muli %mul3A_74, %mul3A_96 : i32
      %add3A_98 = arith.constant 16 : i32
      %add3A_99 = arith.addi %mul3A_97, %add3A_98 : i32
      %get3A_100 = arith.index_cast %add3A_99 : i32 to index
      %get3A_101 = tpu.vector_load %arg8[%get3A_100] {strides = array<i32>} : memref<10000xi32, #tpu.memory_space<vmem>>, vector<16xi32>,
      %get3A_102 = vector.shape_cast %get3A_101 : vector<16xi32> to vector<16xi32>
      %swap3A_103 = arith.constant 0 : i32
      %swap3A_104 = arith.index_cast %swap3A_103 : i32 to index
      %swap3A_105 = arith.constant 16 : index
      %swap3A_106 = tpu.vector_load %arg9[%swap3A_104, %swap3A_105] {strides = array<i32>} : memref<2x80xi32, #tpu.memory_space<vmem>>, vector<1x16xi32>,
      %swap3A_107 = vector.shape_cast %swap3A_106 : vector<1x16xi32> to vector<16xi32>
      %swap3A_108 = vector.shape_cast %get3A_102 : vector<16xi32> to vector<1x16xi32>
      tpu.vector_store %arg9[%swap3A_104, %swap3A_105], %swap3A_108 {strides = array<i32>} : memref<2x80xi32, #tpu.memory_space<vmem>>, vector<1x16xi32>,
      %mul3A_109 = arith.constant 80 : i32
      %mul3A_110 = arith.muli %mul3A_74, %mul3A_109 : i32
      %add3A_111 = arith.constant 32 : i32
      %add3A_112 = arith.addi %mul3A_110, %add3A_111 : i32
      %get3A_113 = arith.index_cast %add3A_112 : i32 to index
      %get3A_114 = tpu.vector_load %arg8[%get3A_113] {strides = array<i32>} : memref<10000xi32, #tpu.memory_space<vmem>>, vector<16xi32>,
      %get3A_115 = vector.shape_cast %get3A_114 : vector<16xi32> to vector<16xi32>
      %swap3A_116 = arith.constant 0 : i32
      %swap3A_117 = arith.index_cast %swap3A_116 : i32 to index
      %swap3A_118 = arith.constant 32 : index
      %swap3A_119 = tpu.vector_load %arg9[%swap3A_117, %swap3A_118] {strides = array<i32>} : memref<2x80xi32, #tpu.memory_space<vmem>>, vector<1x16xi32>,
      %swap3A_120 = vector.shape_cast %swap3A_119 : vector<1x16xi32> to vector<16xi32>
      %swap3A_121 = vector.shape_cast %get3A_115 : vector<16xi32> to vector<1x16xi32>
      tpu.vector_store %arg9[%swap3A_117, %swap3A_118], %swap3A_121 {strides = array<i32>} : memref<2x80xi32, #tpu.memory_space<vmem>>, vector<1x16xi32>,
      %mul3A_122 = arith.constant 80 : i32
      %mul3A_123 = arith.muli %mul3A_74, %mul3A_122 : i32
      %add3A_124 = arith.constant 48 : i32
      %add3A_125 = arith.addi %mul3A_123, %add3A_124 : i32
      %get3A_126 = arith.index_cast %add3A_125 : i32 to index
      %get3A_127 = tpu.vector_load %arg8[%get3A_126] {strides = array<i32>} : memref<10000xi32, #tpu.memory_space<vmem>>, vector<16xi32>,
      %get3A_128 = vector.shape_cast %get3A_127 : vector<16xi32> to vector<16xi32>
      %swap3A_129 = arith.constant 0 : i32
      %swap3A_130 = arith.index_cast %swap3A_129 : i32 to index
      %swap3A_131 = arith.constant 48 : index
      %swap3A_132 = tpu.vector_load %arg9[%swap3A_130, %swap3A_131] {strides = array<i32>} : memref<2x80xi32, #tpu.memory_space<vmem>>, vector<1x16xi32>,
      %swap3A_133 = vector.shape_cast %swap3A_132 : vector<1x16xi32> to vector<16xi32>
      %swap3A_134 = vector.shape_cast %get3A_128 : vector<16xi32> to vector<1x16xi32>
      tpu.vector_store %arg9[%swap3A_130, %swap3A_131], %swap3A_134 {strides = array<i32>} : memref<2x80xi32, #tpu.memory_space<vmem>>, vector<1x16xi32>,
      %mul3A_135 = arith.constant 80 : i32
      %mul3A_136 = arith.muli %mul3A_74, %mul3A_135 : i32
      %add3A_137 = arith.constant 64 : i32
      %add3A_138 = arith.addi %mul3A_136, %add3A_137 : i32
      %get3A_139 = arith.index_cast %add3A_138 : i32 to index
      %get3A_140 = tpu.vector_load %arg8[%get3A_139] {strides = array<i32>} : memref<10000xi32, #tpu.memory_space<vmem>>, vector<16xi32>,
      %get3A_141 = vector.shape_cast %get3A_140 : vector<16xi32> to vector<16xi32>
      %swap3A_142 = arith.constant 0 : i32
      %swap3A_143 = arith.index_cast %swap3A_142 : i32 to index
      %swap3A_144 = arith.constant 64 : index
      %swap3A_145 = tpu.vector_load %arg9[%swap3A_143, %swap3A_144] {strides = array<i32>} : memref<2x80xi32, #tpu.memory_space<vmem>>, vector<1x16xi32>,
      %swap3A_146 = vector.shape_cast %swap3A_145 : vector<1x16xi32> to vector<16xi32>
      %swap3A_147 = vector.shape_cast %get3A_141 : vector<16xi32> to vector<1x16xi32>
      tpu.vector_store %arg9[%swap3A_143, %swap3A_144], %swap3A_147 {strides = array<i32>} : memref<2x80xi32, #tpu.memory_space<vmem>>, vector<1x16xi32>,
      %mul3A_148 = arith.constant 80 : i32
      %mul3A_149 = arith.muli %mul3A_74, %mul3A_148 : i32
      %dma_wait3A_150 = tpu.memref_slice %arg7[%mul3A_149] : memref<10000xi32, #tpu.memory_space<vmem>> -> memref<80xi32, #tpu.memory_space<vmem>>
      %dma_wait3A_151 = arith.constant 0 : i32
      %dma_wait3A_152 = arith.constant 0 : i32
      %dma_wait3A_153 = tpu.memref_slice %arg2[%dma_wait3A_151, %dma_wait3A_152] : memref<10112x128xf32, #tpu.memory_space<hbm>> -> memref<10112x128xf32, #tpu.memory_space<hbm>>
      tpu.wait_indirect_dma semaphore(%arg13 : memref<!tpu.dma_semaphore, #tpu.memory_space<semaphore_mem>>) src(%dma_wait3A_153 : memref<10112x128xf32, #tpu.memory_space<hbm>>) dst(%arg10 : memref<80x128xf32, #tpu.memory_space<vmem>>)
      %run_scoped3A_154 = arith.constant 0 : i32
      "tpu.region"() ({
        %run_scoped3A_240 = tpu.sem_alloc : memref<!tpu.dma_semaphore, #tpu.memory_space<semaphore_mem>>
        %dma_start3A_241 = arith.constant 0 : i32
        %dma_start3A_242 = tpu.memref_slice %arg9[%run_scoped3A_154, %dma_start3A_241] : memref<2x80xi32, #tpu.memory_space<vmem>> -> memref<1x80xi32, #tpu.memory_space<vmem>>
        %dma_start3A_243 = tpu.memref_squeeze %dma_start3A_242 : memref<1x80xi32, #tpu.memory_space<vmem>> -> memref<80xi32, #tpu.memory_space<vmem>>
        %dma_start3A_244 = arith.constant 0 : i32
        %dma_start3A_245 = arith.constant 0 : i32
        %dma_start3A_246 = tpu.memref_slice %arg12[%dma_start3A_244, %dma_start3A_245] : memref<10112x128xf32, #tpu.memory_space<vmem_shared>> -> memref<10112x128xf32, #tpu.memory_space<vmem_shared>>
        tpu.enqueue_indirect_dma source(%arg10 : memref<80x128xf32, #tpu.memory_space<vmem>>) target(%dma_start3A_246 : memref<10112x128xf32, #tpu.memory_space<vmem_shared>>) offsets(%dma_start3A_243 : memref<80xi32, #tpu.memory_space<vmem>>) semaphore(%run_scoped3A_240 : memref<!tpu.dma_semaphore, #tpu.memory_space<semaphore_mem>>) {add = true}
        %dma_wait3A_247 = arith.constant 0 : i32
        %dma_wait3A_248 = tpu.memref_slice %arg9[%run_scoped3A_154, %dma_wait3A_247] : memref<2x80xi32, #tpu.memory_space<vmem>> -> memref<1x80xi32, #tpu.memory_space<vmem>>
        %dma_wait3A_249 = tpu.memref_squeeze %dma_wait3A_248 : memref<1x80xi32, #tpu.memory_space<vmem>> -> memref<80xi32, #tpu.memory_space<vmem>>
        %dma_wait3A_250 = arith.constant 0 : i32
        %dma_wait3A_251 = arith.constant 0 : i32
        %dma_wait3A_252 = tpu.memref_slice %arg12[%dma_wait3A_250, %dma_wait3A_251] : memref<10112x128xf32, #tpu.memory_space<vmem_shared>> -> memref<10112x128xf32, #tpu.memory_space<vmem_shared>>
        tpu.wait_indirect_dma semaphore(%run_scoped3A_240 : memref<!tpu.dma_semaphore, #tpu.memory_space<semaphore_mem>>) src(%arg10 : memref<80x128xf32, #tpu.memory_space<vmem>>) dst(%dma_wait3A_252 : memref<10112x128xf32, #tpu.memory_space<vmem_shared>>)
        tpu.yield
      }) : () -> ()
      %add3A_155 = arith.constant 2 : i32
      %add3A_156 = arith.addi %mul3A_74, %add3A_155 : i32
      %mul3A_157 = arith.constant 80 : i32
      %mul3A_158 = arith.muli %add3A_156, %mul3A_157 : i32
      %dma_start3A_159 = tpu.memref_slice %arg7[%mul3A_158] : memref<10000xi32, #tpu.memory_space<vmem>> -> memref<80xi32, #tpu.memory_space<vmem>>
      %dma_start3A_160 = arith.constant 0 : i32
      %dma_start3A_161 = arith.constant 0 : i32
      %dma_start3A_162 = tpu.memref_slice %arg2[%dma_start3A_160, %dma_start3A_161] : memref<10112x128xf32, #tpu.memory_space<hbm>> -> memref<10112x128xf32, #tpu.memory_space<hbm>>
      tpu.enqueue_indirect_dma source(%dma_start3A_162 : memref<10112x128xf32, #tpu.memory_space<hbm>>) target(%arg10 : memref<80x128xf32, #tpu.memory_space<vmem>>) offsets(%dma_start3A_159 : memref<80xi32, #tpu.memory_space<vmem>>) semaphore(%arg13 : memref<!tpu.dma_semaphore, #tpu.memory_space<semaphore_mem>>)
      %add3A_163 = arith.constant 1 : i32
      %add3A_164 = arith.addi %mul3A_74, %add3A_163 : i32
      %mul3A_165 = arith.constant 80 : i32
      %mul3A_166 = arith.muli %add3A_164, %mul3A_165 : i32
      %add3A_167 = arith.constant 0 : i32
      %add3A_168 = arith.addi %mul3A_166, %add3A_167 : i32
      %get3A_169 = arith.index_cast %add3A_168 : i32 to index
      %get3A_170 = tpu.vector_load %arg8[%get3A_169] {strides = array<i32>} : memref<10000xi32, #tpu.memory_space<vmem>>, vector<16xi32>,
      %get3A_171 = vector.shape_cast %get3A_170 : vector<16xi32> to vector<16xi32>
      %swap3A_172 = arith.constant 1 : i32
      %swap3A_173 = arith.index_cast %swap3A_172 : i32 to index
      %swap3A_174 = arith.constant 0 : index
      %swap3A_175 = tpu.vector_load %arg9[%swap3A_173, %swap3A_174] {strides = array<i32>} : memref<2x80xi32, #tpu.memory_space<vmem>>, vector<1x16xi32>,
      %swap3A_176 = vector.shape_cast %swap3A_175 : vector<1x16xi32> to vector<16xi32>
      %swap3A_177 = vector.shape_cast %get3A_171 : vector<16xi32> to vector<1x16xi32>
      tpu.vector_store %arg9[%swap3A_173, %swap3A_174], %swap3A_177 {strides = array<i32>} : memref<2x80xi32, #tpu.memory_space<vmem>>, vector<1x16xi32>,
      %mul3A_178 = arith.constant 80 : i32
      %mul3A_179 = arith.muli %add3A_164, %mul3A_178 : i32
      %add3A_180 = arith.constant 16 : i32
      %add3A_181 = arith.addi %mul3A_179, %add3A_180 : i32
      %get3A_182 = arith.index_cast %add3A_181 : i32 to index
      %get3A_183 = tpu.vector_load %arg8[%get3A_182] {strides = array<i32>} : memref<10000xi32, #tpu.memory_space<vmem>>, vector<16xi32>,
      %get3A_184 = vector.shape_cast %get3A_183 : vector<16xi32> to vector<16xi32>
      %swap3A_185 = arith.constant 1 : i32
      %swap3A_186 = arith.index_cast %swap3A_185 : i32 to index
      %swap3A_187 = arith.constant 16 : index
      %swap3A_188 = tpu.vector_load %arg9[%swap3A_186, %swap3A_187] {strides = array<i32>} : memref<2x80xi32, #tpu.memory_space<vmem>>, vector<1x16xi32>,
      %swap3A_189 = vector.shape_cast %swap3A_188 : vector<1x16xi32> to vector<16xi32>
      %swap3A_190 = vector.shape_cast %get3A_184 : vector<16xi32> to vector<1x16xi32>
      tpu.vector_store %arg9[%swap3A_186, %swap3A_187], %swap3A_190 {strides = array<i32>} : memref<2x80xi32, #tpu.memory_space<vmem>>, vector<1x16xi32>,
      %mul3A_191 = arith.constant 80 : i32
      %mul3A_192 = arith.muli %add3A_164, %mul3A_191 : i32
      %add3A_193 = arith.constant 32 : i32
      %add3A_194 = arith.addi %mul3A_192, %add3A_193 : i32
      %get3A_195 = arith.index_cast %add3A_194 : i32 to index
      %get3A_196 = tpu.vector_load %arg8[%get3A_195] {strides = array<i32>} : memref<10000xi32, #tpu.memory_space<vmem>>, vector<16xi32>,
      %get3A_197 = vector.shape_cast %get3A_196 : vector<16xi32> to vector<16xi32>
      %swap3A_198 = arith.constant 1 : i32
      %swap3A_199 = arith.index_cast %swap3A_198 : i32 to index
      %swap3A_200 = arith.constant 32 : index
      %swap3A_201 = tpu.vector_load %arg9[%swap3A_199, %swap3A_200] {strides = array<i32>} : memref<2x80xi32, #tpu.memory_space<vmem>>, vector<1x16xi32>,
      %swap3A_202 = vector.shape_cast %swap3A_201 : vector<1x16xi32> to vector<16xi32>
      %swap3A_203 = vector.shape_cast %get3A_197 : vector<16xi32> to vector<1x16xi32>
      tpu.vector_store %arg9[%swap3A_199, %swap3A_200], %swap3A_203 {strides = array<i32>} : memref<2x80xi32, #tpu.memory_space<vmem>>, vector<1x16xi32>,
      %mul3A_204 = arith.constant 80 : i32
      %mul3A_205 = arith.muli %add3A_164, %mul3A_204 : i32
      %add3A_206 = arith.constant 48 : i32
      %add3A_207 = arith.addi %mul3A_205, %add3A_206 : i32
      %get3A_208 = arith.index_cast %add3A_207 : i32 to index
      %get3A_209 = tpu.vector_load %arg8[%get3A_208] {strides = array<i32>} : memref<10000xi32, #tpu.memory_space<vmem>>, vector<16xi32>,
      %get3A_210 = vector.shape_cast %get3A_209 : vector<16xi32> to vector<16xi32>
      %swap3A_211 = arith.constant 1 : i32
      %swap3A_212 = arith.index_cast %swap3A_211 : i32 to index
      %swap3A_213 = arith.constant 48 : index
      %swap3A_214 = tpu.vector_load %arg9[%swap3A_212, %swap3A_213] {strides = array<i32>} : memref<2x80xi32, #tpu.memory_space<vmem>>, vector<1x16xi32>,
      %swap3A_215 = vector.shape_cast %swap3A_214 : vector<1x16xi32> to vector<16xi32>
      %swap3A_216 = vector.shape_cast %get3A_210 : vector<16xi32> to vector<1x16xi32>
      tpu.vector_store %arg9[%swap3A_212, %swap3A_213], %swap3A_216 {strides = array<i32>} : memref<2x80xi32, #tpu.memory_space<vmem>>, vector<1x16xi32>,
      %mul3A_217 = arith.constant 80 : i32
      %mul3A_218 = arith.muli %add3A_164, %mul3A_217 : i32
      %add3A_219 = arith.constant 64 : i32
      %add3A_220 = arith.addi %mul3A_218, %add3A_219 : i32
      %get3A_221 = arith.index_cast %add3A_220 : i32 to index
      %get3A_222 = tpu.vector_load %arg8[%get3A_221] {strides = array<i32>} : memref<10000xi32, #tpu.memory_space<vmem>>, vector<16xi32>,
      %get3A_223 = vector.shape_cast %get3A_222 : vector<16xi32> to vector<16xi32>
      %swap3A_224 = arith.constant 1 : i32
      %swap3A_225 = arith.index_cast %swap3A_224 : i32 to index
      %swap3A_226 = arith.constant 64 : index
      %swap3A_227 = tpu.vector_load %arg9[%swap3A_225, %swap3A_226] {strides = array<i32>} : memref<2x80xi32, #tpu.memory_space<vmem>>, vector<1x16xi32>,
      %swap3A_228 = vector.shape_cast %swap3A_227 : vector<1x16xi32> to vector<16xi32>
      %swap3A_229 = vector.shape_cast %get3A_223 : vector<16xi32> to vector<1x16xi32>
      tpu.vector_store %arg9[%swap3A_225, %swap3A_226], %swap3A_229 {strides = array<i32>} : memref<2x80xi32, #tpu.memory_space<vmem>>, vector<1x16xi32>,
      %add3A_230 = arith.constant 1 : i32
      %add3A_231 = arith.addi %mul3A_74, %add3A_230 : i32
      %mul3A_232 = arith.constant 80 : i32
      %mul3A_233 = arith.muli %add3A_231, %mul3A_232 : i32
      %dma_wait3A_234 = tpu.memref_slice %arg7[%mul3A_233] : memref<10000xi32, #tpu.memory_space<vmem>> -> memref<80xi32, #tpu.memory_space<vmem>>
      %dma_wait3A_235 = arith.constant 0 : i32
      %dma_wait3A_236 = arith.constant 0 : i32
      %dma_wait3A_237 = tpu.memref_slice %arg2[%dma_wait3A_235, %dma_wait3A_236] : memref<10112x128xf32, #tpu.memory_space<hbm>> -> memref<10112x128xf32, #tpu.memory_space<hbm>>
      tpu.wait_indirect_dma semaphore(%arg14 : memref<!tpu.dma_semaphore, #tpu.memory_space<semaphore_mem>>) src(%dma_wait3A_237 : memref<10112x128xf32, #tpu.memory_space<hbm>>) dst(%arg11 : memref<80x128xf32, #tpu.memory_space<vmem>>)
      %run_scoped3A_238 = arith.constant 1 : i32
      "tpu.region"() ({
        %run_scoped3A_240 = tpu.sem_alloc : memref<!tpu.dma_semaphore, #tpu.memory_space<semaphore_mem>>
        %dma_start3A_241 = arith.constant 0 : i32
        %dma_start3A_242 = tpu.memref_slice %arg9[%run_scoped3A_238, %dma_start3A_241] : memref<2x80xi32, #tpu.memory_space<vmem>> -> memref<1x80xi32, #tpu.memory_space<vmem>>
        %dma_start3A_243 = tpu.memref_squeeze %dma_start3A_242 : memref<1x80xi32, #tpu.memory_space<vmem>> -> memref<80xi32, #tpu.memory_space<vmem>>
        %dma_start3A_244 = arith.constant 0 : i32
        %dma_start3A_245 = arith.constant 0 : i32
        %dma_start3A_246 = tpu.memref_slice %arg12[%dma_start3A_244, %dma_start3A_245] : memref<10112x128xf32, #tpu.memory_space<vmem_shared>> -> memref<10112x128xf32, #tpu.memory_space<vmem_shared>>
        tpu.enqueue_indirect_dma source(%arg11 : memref<80x128xf32, #tpu.memory_space<vmem>>) target(%dma_start3A_246 : memref<10112x128xf32, #tpu.memory_space<vmem_shared>>) offsets(%dma_start3A_243 : memref<80xi32, #tpu.memory_space<vmem>>) semaphore(%run_scoped3A_240 : memref<!tpu.dma_semaphore, #tpu.memory_space<semaphore_mem>>) {add = true}
        %dma_wait3A_247 = arith.constant 0 : i32
        %dma_wait3A_248 = tpu.memref_slice %arg9[%run_scoped3A_238, %dma_wait3A_247] : memref<2x80xi32, #tpu.memory_space<vmem>> -> memref<1x80xi32, #tpu.memory_space<vmem>>
        %dma_wait3A_249 = tpu.memref_squeeze %dma_wait3A_248 : memref<1x80xi32, #tpu.memory_space<vmem>> -> memref<80xi32, #tpu.memory_space<vmem>>
        %dma_wait3A_250 = arith.constant 0 : i32
        %dma_wait3A_251 = arith.constant 0 : i32
        %dma_wait3A_252 = tpu.memref_slice %arg12[%dma_wait3A_250, %dma_wait3A_251] : memref<10112x128xf32, #tpu.memory_space<vmem_shared>> -> memref<10112x128xf32, #tpu.memory_space<vmem_shared>>
        tpu.wait_indirect_dma semaphore(%run_scoped3A_240 : memref<!tpu.dma_semaphore, #tpu.memory_space<semaphore_mem>>) src(%arg11 : memref<80x128xf32, #tpu.memory_space<vmem>>) dst(%dma_wait3A_252 : memref<10112x128xf32, #tpu.memory_space<vmem_shared>>)
        tpu.yield
      }) : () -> ()
      %scan3A_239 = arith.constant 0 : i32
      scf.yield %scan3A_239 : i32
    }
    %scan3A_18 = arith.constant 62 : i32
    %get3A = arith.constant 9920 : index
    %get3A_19 = tpu.vector_load %arg8[%get3A] {strides = array<i32>} : memref<10000xi32, #tpu.memory_space<vmem>>, vector<16xi32>,
    %get3A_20 = vector.shape_cast %get3A_19 : vector<16xi32> to vector<16xi32>
    %swap3A = arith.constant 0 : i32
    %swap3A_21 = arith.index_cast %swap3A : i32 to index
    %swap3A_22 = arith.constant 0 : index
    %swap3A_23 = tpu.vector_load %arg9[%swap3A_21, %swap3A_22] {strides = array<i32>} : memref<2x80xi32, #tpu.memory_space<vmem>>, vector<1x16xi32>,
    %swap3A_24 = vector.shape_cast %swap3A_23 : vector<1x16xi32> to vector<16xi32>
    %swap3A_25 = vector.shape_cast %get3A_20 : vector<16xi32> to vector<1x16xi32>
    tpu.vector_store %arg9[%swap3A_21, %swap3A_22], %swap3A_25 {strides = array<i32>} : memref<2x80xi32, #tpu.memory_space<vmem>>, vector<1x16xi32>,
    %get3A_26 = arith.constant 9936 : index
    %get3A_27 = tpu.vector_load %arg8[%get3A_26] {strides = array<i32>} : memref<10000xi32, #tpu.memory_space<vmem>>, vector<16xi32>,
    %get3A_28 = vector.shape_cast %get3A_27 : vector<16xi32> to vector<16xi32>
    %swap3A_29 = arith.constant 0 : i32
    %swap3A_30 = arith.index_cast %swap3A_29 : i32 to index
    %swap3A_31 = arith.constant 16 : index
    %swap3A_32 = tpu.vector_load %arg9[%swap3A_30, %swap3A_31] {strides = array<i32>} : memref<2x80xi32, #tpu.memory_space<vmem>>, vector<1x16xi32>,
    %swap3A_33 = vector.shape_cast %swap3A_32 : vector<1x16xi32> to vector<16xi32>
    %swap3A_34 = vector.shape_cast %get3A_28 : vector<16xi32> to vector<1x16xi32>
    tpu.vector_store %arg9[%swap3A_30, %swap3A_31], %swap3A_34 {strides = array<i32>} : memref<2x80xi32, #tpu.memory_space<vmem>>, vector<1x16xi32>,
    %get3A_35 = arith.constant 9952 : index
    %get3A_36 = tpu.vector_load %arg8[%get3A_35] {strides = array<i32>} : memref<10000xi32, #tpu.memory_space<vmem>>, vector<16xi32>,
    %get3A_37 = vector.shape_cast %get3A_36 : vector<16xi32> to vector<16xi32>
    %swap3A_38 = arith.constant 0 : i32
    %swap3A_39 = arith.index_cast %swap3A_38 : i32 to index
    %swap3A_40 = arith.constant 32 : index
    %swap3A_41 = tpu.vector_load %arg9[%swap3A_39, %swap3A_40] {strides = array<i32>} : memref<2x80xi32, #tpu.memory_space<vmem>>, vector<1x16xi32>,
    %swap3A_42 = vector.shape_cast %swap3A_41 : vector<1x16xi32> to vector<16xi32>
    %swap3A_43 = vector.shape_cast %get3A_37 : vector<16xi32> to vector<1x16xi32>
    tpu.vector_store %arg9[%swap3A_39, %swap3A_40], %swap3A_43 {strides = array<i32>} : memref<2x80xi32, #tpu.memory_space<vmem>>, vector<1x16xi32>,
    %get3A_44 = arith.constant 9968 : index
    %get3A_45 = tpu.vector_load %arg8[%get3A_44] {strides = array<i32>} : memref<10000xi32, #tpu.memory_space<vmem>>, vector<16xi32>,
    %get3A_46 = vector.shape_cast %get3A_45 : vector<16xi32> to vector<16xi32>
    %swap3A_47 = arith.constant 0 : i32
    %swap3A_48 = arith.index_cast %swap3A_47 : i32 to index
    %swap3A_49 = arith.constant 48 : index
    %swap3A_50 = tpu.vector_load %arg9[%swap3A_48, %swap3A_49] {strides = array<i32>} : memref<2x80xi32, #tpu.memory_space<vmem>>, vector<1x16xi32>,
    %swap3A_51 = vector.shape_cast %swap3A_50 : vector<1x16xi32> to vector<16xi32>
    %swap3A_52 = vector.shape_cast %get3A_46 : vector<16xi32> to vector<1x16xi32>
    tpu.vector_store %arg9[%swap3A_48, %swap3A_49], %swap3A_52 {strides = array<i32>} : memref<2x80xi32, #tpu.memory_space<vmem>>, vector<1x16xi32>,
    %get3A_53 = arith.constant 9984 : index
    %get3A_54 = tpu.vector_load %arg8[%get3A_53] {strides = array<i32>} : memref<10000xi32, #tpu.memory_space<vmem>>, vector<16xi32>,
    %get3A_55 = vector.shape_cast %get3A_54 : vector<16xi32> to vector<16xi32>
    %swap3A_56 = arith.constant 0 : i32
    %swap3A_57 = arith.index_cast %swap3A_56 : i32 to index
    %swap3A_58 = arith.constant 64 : index
    %swap3A_59 = tpu.vector_load %arg9[%swap3A_57, %swap3A_58] {strides = array<i32>} : memref<2x80xi32, #tpu.memory_space<vmem>>, vector<1x16xi32>,
    %swap3A_60 = vector.shape_cast %swap3A_59 : vector<1x16xi32> to vector<16xi32>
    %swap3A_61 = vector.shape_cast %get3A_55 : vector<16xi32> to vector<1x16xi32>
    tpu.vector_store %arg9[%swap3A_57, %swap3A_58], %swap3A_61 {strides = array<i32>} : memref<2x80xi32, #tpu.memory_space<vmem>>, vector<1x16xi32>,
    %dma_wait3A = arith.constant 9920 : i32
    %dma_wait3A_62 = tpu.memref_slice %arg7[%dma_wait3A] : memref<10000xi32, #tpu.memory_space<vmem>> -> memref<80xi32, #tpu.memory_space<vmem>>
    %dma_wait3A_63 = arith.constant 0 : i32
    %dma_wait3A_64 = arith.constant 0 : i32
    %dma_wait3A_65 = tpu.memref_slice %arg2[%dma_wait3A_63, %dma_wait3A_64] : memref<10112x128xf32, #tpu.memory_space<hbm>> -> memref<10112x128xf32, #tpu.memory_space<hbm>>
    tpu.wait_indirect_dma semaphore(%arg13 : memref<!tpu.dma_semaphore, #tpu.memory_space<semaphore_mem>>) src(%dma_wait3A_65 : memref<10112x128xf32, #tpu.memory_space<hbm>>) dst(%arg10 : memref<80x128xf32, #tpu.memory_space<vmem>>)
    %run_scoped3A = arith.constant 0 : i32
    "tpu.region"() ({
      %run_scoped3A_71 = tpu.sem_alloc : memref<!tpu.dma_semaphore, #tpu.memory_space<semaphore_mem>>
      %dma_start3A_72 = arith.constant 0 : i32
      %dma_start3A_73 = tpu.memref_slice %arg9[%run_scoped3A, %dma_start3A_72] : memref<2x80xi32, #tpu.memory_space<vmem>> -> memref<1x80xi32, #tpu.memory_space<vmem>>
      %dma_start3A_74 = tpu.memref_squeeze %dma_start3A_73 : memref<1x80xi32, #tpu.memory_space<vmem>> -> memref<80xi32, #tpu.memory_space<vmem>>
      %dma_start3A_75 = arith.constant 0 : i32
      %dma_start3A_76 = arith.constant 0 : i32
      %dma_start3A_77 = tpu.memref_slice %arg12[%dma_start3A_75, %dma_start3A_76] : memref<10112x128xf32, #tpu.memory_space<vmem_shared>> -> memref<10112x128xf32, #tpu.memory_space<vmem_shared>>
      tpu.enqueue_indirect_dma source(%arg10 : memref<80x128xf32, #tpu.memory_space<vmem>>) target(%dma_start3A_77 : memref<10112x128xf32, #tpu.memory_space<vmem_shared>>) offsets(%dma_start3A_74 : memref<80xi32, #tpu.memory_space<vmem>>) semaphore(%run_scoped3A_71 : memref<!tpu.dma_semaphore, #tpu.memory_space<semaphore_mem>>) {add = true}
      %dma_wait3A_78 = arith.constant 0 : i32
      %dma_wait3A_79 = tpu.memref_slice %arg9[%run_scoped3A, %dma_wait3A_78] : memref<2x80xi32, #tpu.memory_space<vmem>> -> memref<1x80xi32, #tpu.memory_space<vmem>>
      %dma_wait3A_80 = tpu.memref_squeeze %dma_wait3A_79 : memref<1x80xi32, #tpu.memory_space<vmem>> -> memref<80xi32, #tpu.memory_space<vmem>>
      %dma_wait3A_81 = arith.constant 0 : i32
      %dma_wait3A_82 = arith.constant 0 : i32
      %dma_wait3A_83 = tpu.memref_slice %arg12[%dma_wait3A_81, %dma_wait3A_82] : memref<10112x128xf32, #tpu.memory_space<vmem_shared>> -> memref<10112x128xf32, #tpu.memory_space<vmem_shared>>
      tpu.wait_indirect_dma semaphore(%run_scoped3A_71 : memref<!tpu.dma_semaphore, #tpu.memory_space<semaphore_mem>>) src(%arg10 : memref<80x128xf32, #tpu.memory_space<vmem>>) dst(%dma_wait3A_83 : memref<10112x128xf32, #tpu.memory_space<vmem_shared>>)
      tpu.yield
    }) : () -> ()
    %barrier3A_66 = arith.constant 0 : index
    tpu.barrier barrier_id(%barrier3A_66)
    %mul3A_67 = arith.constant 632 : i32
    %mul3A_68 = arith.muli %arg1, %mul3A_67 : i32
    %mul3A_69 = arith.constant 632 : i32
    %mul3A_70 = arith.muli %arg1, %mul3A_69 : i32
    "tpu.region"() ({
      %run_scoped3A_71 = tpu.sem_alloc : memref<!tpu.dma_semaphore, #tpu.memory_space<semaphore_mem>>
      %dma_start3A_72 = arith.constant 0 : i32
      %dma_start3A_73 = tpu.memref_slice %arg6[%arg0, %mul3A_70, %dma_start3A_72] : memref<2x10112x128xf32, #tpu.memory_space<hbm>> -> memref<1x632x128xf32, #tpu.memory_space<hbm>>
      %dma_start3A_74 = tpu.memref_squeeze %dma_start3A_73 : memref<1x632x128xf32, #tpu.memory_space<hbm>> -> memref<632x128xf32, #tpu.memory_space<hbm>>
      %dma_start3A_75 = arith.constant 0 : i32
      %dma_start3A_76 = tpu.memref_slice %arg12[%mul3A_68, %dma_start3A_75] : memref<10112x128xf32, #tpu.memory_space<vmem_shared>> -> memref<632x128xf32, #tpu.memory_space<vmem_shared>>
      tpu.enqueue_dma source(%dma_start3A_76 : memref<632x128xf32, #tpu.memory_space<vmem_shared>>) target(%dma_start3A_74 : memref<632x128xf32, #tpu.memory_space<hbm>>) target_semaphore(%run_scoped3A_71 : memref<!tpu.dma_semaphore, #tpu.memory_space<semaphore_mem>>)
      %dma_wait3A_77 = arith.constant 0 : i32
      %dma_wait3A_78 = tpu.memref_slice %arg6[%arg0, %mul3A_70, %dma_wait3A_77] : memref<2x10112x128xf32, #tpu.memory_space<hbm>> -> memref<1x632x128xf32, #tpu.memory_space<hbm>>
      %dma_wait3A_79 = tpu.memref_squeeze %dma_wait3A_78 : memref<1x632x128xf32, #tpu.memory_space<hbm>> -> memref<632x128xf32, #tpu.memory_space<hbm>>
      %dma_wait3A_80 = arith.constant 0 : i32
      %dma_wait3A_81 = tpu.memref_slice %arg12[%mul3A_68, %dma_wait3A_80] : memref<10112x128xf32, #tpu.memory_space<vmem_shared>> -> memref<632x128xf32, #tpu.memory_space<vmem_shared>>
      tpu.wait_dma2 semaphore(%run_scoped3A_71 : memref<!tpu.dma_semaphore, #tpu.memory_space<semaphore_mem>>) src(%dma_wait3A_81 : memref<632x128xf32, #tpu.memory_space<vmem_shared>>) dst(%dma_wait3A_79 : memref<632x128xf32, #tpu.memory_space<hbm>>)
      tpu.yield
    }) : () -> ()
    return
  }
}

#map = affine_map<(d0, d1) -> (0)>
#map1 = affine_map<(d0, d1) -> (0, 0)>
#map2 = affine_map<(d0, d1) -> (0, 0, 0)>
module attributes {stable_mosaic.version = 14 : i64} {
  func.func @k(%arg0: i32, %arg1: i32, %arg2: memref<320000xi32, #tpu.memory_space<hbm>>, %arg3: memref<632x16xf32, #tpu.memory_space<hbm>>, %arg4: memref<2x10112x16xf32, #tpu.memory_space<hbm>>, %arg5: memref<8x80xi32, #tpu.memory_space<vmem>>, %arg6: memref<10000xi32, #tpu.memory_space<vmem>>, %arg7: memref<80x16xf32, #tpu.memory_space<vmem>>, %arg8: memref<10112x16xf32, #tpu.memory_space<vmem_shared>>, %arg9: memref<!tpu.dma_semaphore, #tpu.memory_space<semaphore_mem>>) attributes {dimension_semantics = [#tpu.dimension_semantics<core_parallel>, #tpu.dimension_semantics<subcore_parallel>], iteration_bounds = array<i64: 2, 16>, scalar_prefetch = 0 : i64, scratch_operands = 5 : i64, tpu.core_type = #tpu.core_type<sc_vector_subcore>, window_params = [{transform_indices = #map}, {transform_indices = #map1}, {transform_indices = #map2}]} {
    %mul3A = arith.constant 2 : i32
    %mul3A_0 = arith.muli %arg1, %mul3A : i32
    %add3A = arith.addi %mul3A_0, %arg0 : i32
    %mul3A_1 = arith.constant 10000 : i32
    %mul3A_2 = arith.muli %add3A, %mul3A_1 : i32
    %scan3A = arith.constant 0 : i32
    %scan3A_3 = arith.constant 0 : i32
    %scan3A_4 = arith.constant 80 : i32
    %scan3A_5 = arith.addi %scan3A_3, %scan3A_4 : i32
    %scan3A_6 = arith.constant 1 : i32
    %scan3A_7 = scf.for %scan3A_30 = %scan3A_3 to %scan3A_5 step %scan3A_6 iter_args(%scan3A_31 = %scan3A) -> (i32)  : i32 {
      %broadcast_in_dim3A = arith.constant 1.000000e+00 : f32
      %broadcast_in_dim3A_32 = vector.broadcast %broadcast_in_dim3A : f32 to vector<16xf32>
      %swap3A = arith.index_cast %scan3A_30 : i32 to index
      %swap3A_33 = arith.constant 0 : index
      %swap3A_34 = tpu.vector_load %arg7[%swap3A, %swap3A_33] {strides = array<i32>} : memref<80x16xf32, #tpu.memory_space<vmem>>, vector<1x16xf32>,
      %swap3A_35 = vector.shape_cast %swap3A_34 : vector<1x16xf32> to vector<16xf32>
      %swap3A_36 = vector.shape_cast %broadcast_in_dim3A_32 : vector<16xf32> to vector<1x16xf32>
      tpu.vector_store %arg7[%swap3A, %swap3A_33], %swap3A_36 {strides = array<i32>} : memref<80x16xf32, #tpu.memory_space<vmem>>, vector<1x16xf32>,
      %scan3A_37 = arith.constant 0 : i32
      scf.yield %scan3A_37 : i32
    }
    %scan3A_8 = arith.constant 80 : i32
    %mul3A_9 = arith.constant 632 : i32
    %mul3A_10 = arith.muli %arg1, %mul3A_9 : i32
    "tpu.region"() ({
      %run_scoped3A = tpu.sem_alloc : memref<!tpu.dma_semaphore, #tpu.memory_space<semaphore_mem>>
      %dma_start3A = arith.constant 0 : i32
      %dma_start3A_30 = tpu.memref_slice %arg8[%mul3A_10, %dma_start3A] : memref<10112x16xf32, #tpu.memory_space<vmem_shared>> -> memref<632x16xf32, #tpu.memory_space<vmem_shared>>
      tpu.enqueue_dma source(%arg3 : memref<632x16xf32, #tpu.memory_space<hbm>>) target(%dma_start3A_30 : memref<632x16xf32, #tpu.memory_space<vmem_shared>>) target_semaphore(%run_scoped3A : memref<!tpu.dma_semaphore, #tpu.memory_space<semaphore_mem>>)
      %dma_wait3A = arith.constant 0 : i32
      %dma_wait3A_31 = tpu.memref_slice %arg8[%mul3A_10, %dma_wait3A] : memref<10112x16xf32, #tpu.memory_space<vmem_shared>> -> memref<632x16xf32, #tpu.memory_space<vmem_shared>>
      tpu.wait_dma2 semaphore(%run_scoped3A : memref<!tpu.dma_semaphore, #tpu.memory_space<semaphore_mem>>) src(%arg3 : memref<632x16xf32, #tpu.memory_space<hbm>>) dst(%dma_wait3A_31 : memref<632x16xf32, #tpu.memory_space<vmem_shared>>)
      tpu.yield
    }) : () -> ()
    "tpu.region"() ({
      %run_scoped3A = tpu.sem_alloc : memref<!tpu.dma_semaphore, #tpu.memory_space<semaphore_mem>>
      %dma_start3A = tpu.memref_slice %arg2[%mul3A_2] : memref<320000xi32, #tpu.memory_space<hbm>> -> memref<10000xi32, #tpu.memory_space<hbm>>
      %dma_start3A_30 = tpu.memref_slice %arg2[%mul3A_2] : memref<320000xi32, #tpu.memory_space<hbm>> -> memref<10000xi32, #tpu.memory_space<hbm>>
      tpu.enqueue_dma source(%dma_start3A_30 : memref<10000xi32, #tpu.memory_space<hbm>>) target(%arg6 : memref<10000xi32, #tpu.memory_space<vmem>>) target_semaphore(%run_scoped3A : memref<!tpu.dma_semaphore, #tpu.memory_space<semaphore_mem>>)
      %dma_wait3A = tpu.memref_slice %arg2[%mul3A_2] : memref<320000xi32, #tpu.memory_space<hbm>> -> memref<10000xi32, #tpu.memory_space<hbm>>
      %dma_wait3A_31 = tpu.memref_slice %arg2[%mul3A_2] : memref<320000xi32, #tpu.memory_space<hbm>> -> memref<10000xi32, #tpu.memory_space<hbm>>
      tpu.wait_dma2 semaphore(%run_scoped3A : memref<!tpu.dma_semaphore, #tpu.memory_space<semaphore_mem>>) src(%dma_wait3A_31 : memref<10000xi32, #tpu.memory_space<hbm>>) dst(%arg6 : memref<10000xi32, #tpu.memory_space<vmem>>)
      tpu.yield
    }) : () -> ()
    %barrier3A = arith.constant 0 : index
    tpu.barrier barrier_id(%barrier3A)
    %scan3A_11 = arith.constant 0 : i32
    %scan3A_12 = arith.constant 0 : i32
    %scan3A_13 = arith.constant 125 : i32
    %scan3A_14 = arith.addi %scan3A_12, %scan3A_13 : i32
    %scan3A_15 = arith.constant 1 : i32
    %scan3A_16 = scf.for %scan3A_30 = %scan3A_12 to %scan3A_14 step %scan3A_15 iter_args(%scan3A_31 = %scan3A_11) -> (i32)  : i32 {
      %rem3A = arith.constant 8 : i32
      %rem3A_32 = arith.remsi %scan3A_30, %rem3A : i32
      %ge3A = arith.constant 8 : i32
      %ge3A_33 = arith.cmpi sge, %scan3A_30, %ge3A : i32
      %convert_element_type3A = arith.extui %ge3A_33 : i1 to i32
      %cond3A = arith.constant 0 : i32
      %cond3A_34 = arith.cmpi ne, %convert_element_type3A, %cond3A : i32
      scf.if %cond3A_34 {
        %dma_wait3A = arith.constant 0 : i32
        %dma_wait3A_99 = tpu.memref_slice %arg5[%rem3A_32, %dma_wait3A] : memref<8x80xi32, #tpu.memory_space<vmem>> -> memref<1x80xi32, #tpu.memory_space<vmem>>
        %dma_wait3A_100 = tpu.memref_squeeze %dma_wait3A_99 : memref<1x80xi32, #tpu.memory_space<vmem>> -> memref<80xi32, #tpu.memory_space<vmem>>
        %dma_wait3A_101 = arith.constant 0 : i32
        %dma_wait3A_102 = arith.constant 0 : i32
        %dma_wait3A_103 = tpu.memref_slice %arg8[%dma_wait3A_101, %dma_wait3A_102] : memref<10112x16xf32, #tpu.memory_space<vmem_shared>> -> memref<10112x16xf32, #tpu.memory_space<vmem_shared>>
        tpu.wait_indirect_dma semaphore(%arg9 : memref<!tpu.dma_semaphore, #tpu.memory_space<semaphore_mem>>) src(%arg7 : memref<80x16xf32, #tpu.memory_space<vmem>>) dst(%dma_wait3A_103 : memref<10112x16xf32, #tpu.memory_space<vmem_shared>>)
      } else {
      }
      %mul3A_35 = arith.constant 80 : i32
      %mul3A_36 = arith.muli %scan3A_30, %mul3A_35 : i32
      %add3A_37 = arith.constant 0 : i32
      %add3A_38 = arith.addi %mul3A_36, %add3A_37 : i32
      %get3A = arith.index_cast %add3A_38 : i32 to index
      %get3A_39 = tpu.vector_load %arg6[%get3A] {strides = array<i32>} : memref<10000xi32, #tpu.memory_space<vmem>>, vector<16xi32>,
      %get3A_40 = vector.shape_cast %get3A_39 : vector<16xi32> to vector<16xi32>
      %swap3A = arith.index_cast %rem3A_32 : i32 to index
      %swap3A_41 = arith.constant 0 : index
      %swap3A_42 = tpu.vector_load %arg5[%swap3A, %swap3A_41] {strides = array<i32>} : memref<8x80xi32, #tpu.memory_space<vmem>>, vector<1x16xi32>,
      %swap3A_43 = vector.shape_cast %swap3A_42 : vector<1x16xi32> to vector<16xi32>
      %swap3A_44 = vector.shape_cast %get3A_40 : vector<16xi32> to vector<1x16xi32>
      tpu.vector_store %arg5[%swap3A, %swap3A_41], %swap3A_44 {strides = array<i32>} : memref<8x80xi32, #tpu.memory_space<vmem>>, vector<1x16xi32>,
      %mul3A_45 = arith.constant 80 : i32
      %mul3A_46 = arith.muli %scan3A_30, %mul3A_45 : i32
      %add3A_47 = arith.constant 16 : i32
      %add3A_48 = arith.addi %mul3A_46, %add3A_47 : i32
      %get3A_49 = arith.index_cast %add3A_48 : i32 to index
      %get3A_50 = tpu.vector_load %arg6[%get3A_49] {strides = array<i32>} : memref<10000xi32, #tpu.memory_space<vmem>>, vector<16xi32>,
      %get3A_51 = vector.shape_cast %get3A_50 : vector<16xi32> to vector<16xi32>
      %swap3A_52 = arith.index_cast %rem3A_32 : i32 to index
      %swap3A_53 = arith.constant 16 : index
      %swap3A_54 = tpu.vector_load %arg5[%swap3A_52, %swap3A_53] {strides = array<i32>} : memref<8x80xi32, #tpu.memory_space<vmem>>, vector<1x16xi32>,
      %swap3A_55 = vector.shape_cast %swap3A_54 : vector<1x16xi32> to vector<16xi32>
      %swap3A_56 = vector.shape_cast %get3A_51 : vector<16xi32> to vector<1x16xi32>
      tpu.vector_store %arg5[%swap3A_52, %swap3A_53], %swap3A_56 {strides = array<i32>} : memref<8x80xi32, #tpu.memory_space<vmem>>, vector<1x16xi32>,
      %mul3A_57 = arith.constant 80 : i32
      %mul3A_58 = arith.muli %scan3A_30, %mul3A_57 : i32
      %add3A_59 = arith.constant 32 : i32
      %add3A_60 = arith.addi %mul3A_58, %add3A_59 : i32
      %get3A_61 = arith.index_cast %add3A_60 : i32 to index
      %get3A_62 = tpu.vector_load %arg6[%get3A_61] {strides = array<i32>} : memref<10000xi32, #tpu.memory_space<vmem>>, vector<16xi32>,
      %get3A_63 = vector.shape_cast %get3A_62 : vector<16xi32> to vector<16xi32>
      %swap3A_64 = arith.index_cast %rem3A_32 : i32 to index
      %swap3A_65 = arith.constant 32 : index
      %swap3A_66 = tpu.vector_load %arg5[%swap3A_64, %swap3A_65] {strides = array<i32>} : memref<8x80xi32, #tpu.memory_space<vmem>>, vector<1x16xi32>,
      %swap3A_67 = vector.shape_cast %swap3A_66 : vector<1x16xi32> to vector<16xi32>
      %swap3A_68 = vector.shape_cast %get3A_63 : vector<16xi32> to vector<1x16xi32>
      tpu.vector_store %arg5[%swap3A_64, %swap3A_65], %swap3A_68 {strides = array<i32>} : memref<8x80xi32, #tpu.memory_space<vmem>>, vector<1x16xi32>,
      %mul3A_69 = arith.constant 80 : i32
      %mul3A_70 = arith.muli %scan3A_30, %mul3A_69 : i32
      %add3A_71 = arith.constant 48 : i32
      %add3A_72 = arith.addi %mul3A_70, %add3A_71 : i32
      %get3A_73 = arith.index_cast %add3A_72 : i32 to index
      %get3A_74 = tpu.vector_load %arg6[%get3A_73] {strides = array<i32>} : memref<10000xi32, #tpu.memory_space<vmem>>, vector<16xi32>,
      %get3A_75 = vector.shape_cast %get3A_74 : vector<16xi32> to vector<16xi32>
      %swap3A_76 = arith.index_cast %rem3A_32 : i32 to index
      %swap3A_77 = arith.constant 48 : index
      %swap3A_78 = tpu.vector_load %arg5[%swap3A_76, %swap3A_77] {strides = array<i32>} : memref<8x80xi32, #tpu.memory_space<vmem>>, vector<1x16xi32>,
      %swap3A_79 = vector.shape_cast %swap3A_78 : vector<1x16xi32> to vector<16xi32>
      %swap3A_80 = vector.shape_cast %get3A_75 : vector<16xi32> to vector<1x16xi32>
      tpu.vector_store %arg5[%swap3A_76, %swap3A_77], %swap3A_80 {strides = array<i32>} : memref<8x80xi32, #tpu.memory_space<vmem>>, vector<1x16xi32>,
      %mul3A_81 = arith.constant 80 : i32
      %mul3A_82 = arith.muli %scan3A_30, %mul3A_81 : i32
      %add3A_83 = arith.constant 64 : i32
      %add3A_84 = arith.addi %mul3A_82, %add3A_83 : i32
      %get3A_85 = arith.index_cast %add3A_84 : i32 to index
      %get3A_86 = tpu.vector_load %arg6[%get3A_85] {strides = array<i32>} : memref<10000xi32, #tpu.memory_space<vmem>>, vector<16xi32>,
      %get3A_87 = vector.shape_cast %get3A_86 : vector<16xi32> to vector<16xi32>
      %swap3A_88 = arith.index_cast %rem3A_32 : i32 to index
      %swap3A_89 = arith.constant 64 : index
      %swap3A_90 = tpu.vector_load %arg5[%swap3A_88, %swap3A_89] {strides = array<i32>} : memref<8x80xi32, #tpu.memory_space<vmem>>, vector<1x16xi32>,
      %swap3A_91 = vector.shape_cast %swap3A_90 : vector<1x16xi32> to vector<16xi32>
      %swap3A_92 = vector.shape_cast %get3A_87 : vector<16xi32> to vector<1x16xi32>
      tpu.vector_store %arg5[%swap3A_88, %swap3A_89], %swap3A_92 {strides = array<i32>} : memref<8x80xi32, #tpu.memory_space<vmem>>, vector<1x16xi32>,
      %dma_start3A = arith.constant 0 : i32
      %dma_start3A_93 = tpu.memref_slice %arg5[%rem3A_32, %dma_start3A] : memref<8x80xi32, #tpu.memory_space<vmem>> -> memref<1x80xi32, #tpu.memory_space<vmem>>
      %dma_start3A_94 = tpu.memref_squeeze %dma_start3A_93 : memref<1x80xi32, #tpu.memory_space<vmem>> -> memref<80xi32, #tpu.memory_space<vmem>>
      %dma_start3A_95 = arith.constant 0 : i32
      %dma_start3A_96 = arith.constant 0 : i32
      %dma_start3A_97 = tpu.memref_slice %arg8[%dma_start3A_95, %dma_start3A_96] : memref<10112x16xf32, #tpu.memory_space<vmem_shared>> -> memref<10112x16xf32, #tpu.memory_space<vmem_shared>>
      tpu.enqueue_indirect_dma source(%arg7 : memref<80x16xf32, #tpu.memory_space<vmem>>) target(%dma_start3A_97 : memref<10112x16xf32, #tpu.memory_space<vmem_shared>>) offsets(%dma_start3A_94 : memref<80xi32, #tpu.memory_space<vmem>>) semaphore(%arg9 : memref<!tpu.dma_semaphore, #tpu.memory_space<semaphore_mem>>) {add = true}
      %scan3A_98 = arith.constant 0 : i32
      scf.yield %scan3A_98 : i32
    }
    %scan3A_17 = arith.constant 125 : i32
    %scan3A_18 = arith.constant 0 : i32
    %scan3A_19 = arith.constant 117 : i32
    %scan3A_20 = arith.constant 8 : i32
    %scan3A_21 = arith.addi %scan3A_19, %scan3A_20 : i32
    %scan3A_22 = arith.constant 1 : i32
    %scan3A_23 = scf.for %scan3A_30 = %scan3A_19 to %scan3A_21 step %scan3A_22 iter_args(%scan3A_31 = %scan3A_18) -> (i32)  : i32 {
      %rem3A = arith.constant 8 : i32
      %rem3A_32 = arith.remsi %scan3A_30, %rem3A : i32
      %dma_wait3A = arith.constant 0 : i32
      %dma_wait3A_33 = tpu.memref_slice %arg5[%rem3A_32, %dma_wait3A] : memref<8x80xi32, #tpu.memory_space<vmem>> -> memref<1x80xi32, #tpu.memory_space<vmem>>
      %dma_wait3A_34 = tpu.memref_squeeze %dma_wait3A_33 : memref<1x80xi32, #tpu.memory_space<vmem>> -> memref<80xi32, #tpu.memory_space<vmem>>
      %dma_wait3A_35 = arith.constant 0 : i32
      %dma_wait3A_36 = arith.constant 0 : i32
      %dma_wait3A_37 = tpu.memref_slice %arg8[%dma_wait3A_35, %dma_wait3A_36] : memref<10112x16xf32, #tpu.memory_space<vmem_shared>> -> memref<10112x16xf32, #tpu.memory_space<vmem_shared>>
      tpu.wait_indirect_dma semaphore(%arg9 : memref<!tpu.dma_semaphore, #tpu.memory_space<semaphore_mem>>) src(%arg7 : memref<80x16xf32, #tpu.memory_space<vmem>>) dst(%dma_wait3A_37 : memref<10112x16xf32, #tpu.memory_space<vmem_shared>>)
      %scan3A_38 = arith.constant 0 : i32
      scf.yield %scan3A_38 : i32
    }
    %scan3A_24 = arith.constant 8 : i32
    %barrier3A_25 = arith.constant 0 : index
    tpu.barrier barrier_id(%barrier3A_25)
    %mul3A_26 = arith.constant 632 : i32
    %mul3A_27 = arith.muli %arg1, %mul3A_26 : i32
    %mul3A_28 = arith.constant 632 : i32
    %mul3A_29 = arith.muli %arg1, %mul3A_28 : i32
    "tpu.region"() ({
      %run_scoped3A = tpu.sem_alloc : memref<!tpu.dma_semaphore, #tpu.memory_space<semaphore_mem>>
      %dma_start3A = arith.constant 0 : i32
      %dma_start3A_30 = tpu.memref_slice %arg4[%arg0, %mul3A_29, %dma_start3A] : memref<2x10112x16xf32, #tpu.memory_space<hbm>> -> memref<1x632x16xf32, #tpu.memory_space<hbm>>
      %dma_start3A_31 = tpu.memref_squeeze %dma_start3A_30 : memref<1x632x16xf32, #tpu.memory_space<hbm>> -> memref<632x16xf32, #tpu.memory_space<hbm>>
      %dma_start3A_32 = arith.constant 0 : i32
      %dma_start3A_33 = tpu.memref_slice %arg8[%mul3A_27, %dma_start3A_32] : memref<10112x16xf32, #tpu.memory_space<vmem_shared>> -> memref<632x16xf32, #tpu.memory_space<vmem_shared>>
      tpu.enqueue_dma source(%dma_start3A_33 : memref<632x16xf32, #tpu.memory_space<vmem_shared>>) target(%dma_start3A_31 : memref<632x16xf32, #tpu.memory_space<hbm>>) target_semaphore(%run_scoped3A : memref<!tpu.dma_semaphore, #tpu.memory_space<semaphore_mem>>)
      %dma_wait3A = arith.constant 0 : i32
      %dma_wait3A_34 = tpu.memref_slice %arg4[%arg0, %mul3A_29, %dma_wait3A] : memref<2x10112x16xf32, #tpu.memory_space<hbm>> -> memref<1x632x16xf32, #tpu.memory_space<hbm>>
      %dma_wait3A_35 = tpu.memref_squeeze %dma_wait3A_34 : memref<1x632x16xf32, #tpu.memory_space<hbm>> -> memref<632x16xf32, #tpu.memory_space<hbm>>
      %dma_wait3A_36 = arith.constant 0 : i32
      %dma_wait3A_37 = tpu.memref_slice %arg8[%mul3A_27, %dma_wait3A_36] : memref<10112x16xf32, #tpu.memory_space<vmem_shared>> -> memref<632x16xf32, #tpu.memory_space<vmem_shared>>
      tpu.wait_dma2 semaphore(%run_scoped3A : memref<!tpu.dma_semaphore, #tpu.memory_space<semaphore_mem>>) src(%dma_wait3A_37 : memref<632x16xf32, #tpu.memory_space<vmem_shared>>) dst(%dma_wait3A_35 : memref<632x16xf32, #tpu.memory_space<hbm>>)
      tpu.yield
    }) : () -> ()
    return
  }
}

#map = affine_map<(d0, d1) -> (0, 0)>
#map1 = affine_map<(d0, d1) -> (0)>
#map2 = affine_map<(d0, d1) -> (0, 0, 0)>
module attributes {stable_mosaic.version = 14 : i64} {
  func.func @k(%arg0: i32, %arg1: i32, %arg2: memref<10112x128xf32, #tpu.memory_space<hbm>>, %arg3: memref<320000xi32, #tpu.memory_space<hbm>>, %arg4: memref<320000xi32, #tpu.memory_space<hbm>>, %arg5: memref<632x128xf32, #tpu.memory_space<hbm>>, %arg6: memref<2x10112x128xf32, #tpu.memory_space<hbm>>, %arg7: memref<10000xi32, #tpu.memory_space<vmem>>, %arg8: memref<10000xi32, #tpu.memory_space<vmem>>, %arg9: memref<2x80xi32, #tpu.memory_space<vmem>>, %arg10: memref<80x128xf32, #tpu.memory_space<vmem>>, %arg11: memref<80x128xf32, #tpu.memory_space<vmem>>, %arg12: memref<10112x128xf32, #tpu.memory_space<vmem_shared>>, %arg13: memref<!tpu.dma_semaphore, #tpu.memory_space<semaphore_mem>>, %arg14: memref<!tpu.dma_semaphore, #tpu.memory_space<semaphore_mem>>) attributes {dimension_semantics = [#tpu.dimension_semantics<core_parallel>, #tpu.dimension_semantics<subcore_parallel>], iteration_bounds = array<i64: 2, 16>, scalar_prefetch = 0 : i64, scratch_operands = 8 : i64, tpu.core_type = #tpu.core_type<sc_vector_subcore>, window_params = [{transform_indices = #map}, {transform_indices = #map1}, {transform_indices = #map1}, {transform_indices = #map}, {transform_indices = #map2}]} {
    %mul3A = arith.constant 2 : i32
    %mul3A_0 = arith.muli %arg1, %mul3A : i32
    %add3A = arith.addi %mul3A_0, %arg0 : i32
    %mul3A_1 = arith.constant 10000 : i32
    %mul3A_2 = arith.muli %add3A, %mul3A_1 : i32
    %eq3A = arith.constant 0 : i32
    %eq3A_3 = arith.cmpi eq, %arg0, %eq3A : i32
    %convert_element_type3A = arith.extui %eq3A_3 : i1 to i32
    %cond3A = arith.constant 0 : i32
    %cond3A_4 = arith.cmpi ne, %convert_element_type3A, %cond3A : i32
    scf.if %cond3A_4 {
      %mul3A_71 = arith.constant 632 : i32
      %mul3A_72 = arith.muli %arg1, %mul3A_71 : i32
      %mul3A_73 = arith.constant 632 : i32
      %mul3A_74 = arith.muli %arg1, %mul3A_73 : i32
      "tpu.region"() ({
        %run_scoped3A_75 = tpu.sem_alloc : memref<!tpu.dma_semaphore, #tpu.memory_space<semaphore_mem>>
        %dma_start3A_76 = arith.constant 0 : i32
        %dma_start3A_77 = tpu.memref_slice %arg12[%mul3A_74, %dma_start3A_76] : memref<10112x128xf32, #tpu.memory_space<vmem_shared>> -> memref<632x128xf32, #tpu.memory_space<vmem_shared>>
        %dma_start3A_78 = arith.constant 0 : i32
        %dma_start3A_79 = tpu.memref_slice %arg2[%mul3A_72, %dma_start3A_78] : memref<10112x128xf32, #tpu.memory_space<hbm>> -> memref<632x128xf32, #tpu.memory_space<hbm>>
        tpu.enqueue_dma source(%dma_start3A_79 : memref<632x128xf32, #tpu.memory_space<hbm>>) target(%dma_start3A_77 : memref<632x128xf32, #tpu.memory_space<vmem_shared>>) target_semaphore(%run_scoped3A_75 : memref<!tpu.dma_semaphore, #tpu.memory_space<semaphore_mem>>)
        %dma_wait3A_80 = arith.constant 0 : i32
        %dma_wait3A_81 = tpu.memref_slice %arg12[%mul3A_74, %dma_wait3A_80] : memref<10112x128xf32, #tpu.memory_space<vmem_shared>> -> memref<632x128xf32, #tpu.memory_space<vmem_shared>>
        %dma_wait3A_82 = arith.constant 0 : i32
        %dma_wait3A_83 = tpu.memref_slice %arg2[%mul3A_72, %dma_wait3A_82] : memref<10112x128xf32, #tpu.memory_space<hbm>> -> memref<632x128xf32, #tpu.memory_space<hbm>>
        tpu.wait_dma2 semaphore(%run_scoped3A_75 : memref<!tpu.dma_semaphore, #tpu.memory_space<semaphore_mem>>) src(%dma_wait3A_83 : memref<632x128xf32, #tpu.memory_space<hbm>>) dst(%dma_wait3A_81 : memref<632x128xf32, #tpu.memory_space<vmem_shared>>)
        tpu.yield
      }) : () -> ()
    } else {
    }
    %ne3A = arith.constant 0 : i32
    %ne3A_5 = arith.cmpi ne, %arg0, %ne3A : i32
    %convert_element_type3A_6 = arith.extui %ne3A_5 : i1 to i32
    %cond3A_7 = arith.constant 0 : i32
    %cond3A_8 = arith.cmpi ne, %convert_element_type3A_6, %cond3A_7 : i32
    scf.if %cond3A_8 {
      %mul3A_71 = arith.constant 632 : i32
      %mul3A_72 = arith.muli %arg1, %mul3A_71 : i32
      "tpu.region"() ({
        %run_scoped3A_73 = tpu.sem_alloc : memref<!tpu.dma_semaphore, #tpu.memory_space<semaphore_mem>>
        %dma_start3A_74 = arith.constant 0 : i32
        %dma_start3A_75 = tpu.memref_slice %arg12[%mul3A_72, %dma_start3A_74] : memref<10112x128xf32, #tpu.memory_space<vmem_shared>> -> memref<632x128xf32, #tpu.memory_space<vmem_shared>>
        tpu.enqueue_dma source(%arg5 : memref<632x128xf32, #tpu.memory_space<hbm>>) target(%dma_start3A_75 : memref<632x128xf32, #tpu.memory_space<vmem_shared>>) target_semaphore(%run_scoped3A_73 : memref<!tpu.dma_semaphore, #tpu.memory_space<semaphore_mem>>)
        %dma_wait3A_76 = arith.constant 0 : i32
        %dma_wait3A_77 = tpu.memref_slice %arg12[%mul3A_72, %dma_wait3A_76] : memref<10112x128xf32, #tpu.memory_space<vmem_shared>> -> memref<632x128xf32, #tpu.memory_space<vmem_shared>>
        tpu.wait_dma2 semaphore(%run_scoped3A_73 : memref<!tpu.dma_semaphore, #tpu.memory_space<semaphore_mem>>) src(%arg5 : memref<632x128xf32, #tpu.memory_space<hbm>>) dst(%dma_wait3A_77 : memref<632x128xf32, #tpu.memory_space<vmem_shared>>)
        tpu.yield
      }) : () -> ()
    } else {
    }
    "tpu.region"() ({
      %run_scoped3A_71 = tpu.sem_alloc : memref<!tpu.dma_semaphore, #tpu.memory_space<semaphore_mem>>
      %dma_start3A_72 = tpu.memref_slice %arg3[%mul3A_2] : memref<320000xi32, #tpu.memory_space<hbm>> -> memref<10000xi32, #tpu.memory_space<hbm>>
      %dma_start3A_73 = tpu.memref_slice %arg3[%mul3A_2] : memref<320000xi32, #tpu.memory_space<hbm>> -> memref<10000xi32, #tpu.memory_space<hbm>>
      tpu.enqueue_dma source(%dma_start3A_73 : memref<10000xi32, #tpu.memory_space<hbm>>) target(%arg7 : memref<10000xi32, #tpu.memory_space<vmem>>) target_semaphore(%run_scoped3A_71 : memref<!tpu.dma_semaphore, #tpu.memory_space<semaphore_mem>>)
      %dma_wait3A_74 = tpu.memref_slice %arg3[%mul3A_2] : memref<320000xi32, #tpu.memory_space<hbm>> -> memref<10000xi32, #tpu.memory_space<hbm>>
      %dma_wait3A_75 = tpu.memref_slice %arg3[%mul3A_2] : memref<320000xi32, #tpu.memory_space<hbm>> -> memref<10000xi32, #tpu.memory_space<hbm>>
      tpu.wait_dma2 semaphore(%run_scoped3A_71 : memref<!tpu.dma_semaphore, #tpu.memory_space<semaphore_mem>>) src(%dma_wait3A_75 : memref<10000xi32, #tpu.memory_space<hbm>>) dst(%arg7 : memref<10000xi32, #tpu.memory_space<vmem>>)
      tpu.yield
    }) : () -> ()
    "tpu.region"() ({
      %run_scoped3A_71 = tpu.sem_alloc : memref<!tpu.dma_semaphore, #tpu.memory_space<semaphore_mem>>
      %dma_start3A_72 = tpu.memref_slice %arg4[%mul3A_2] : memref<320000xi32, #tpu.memory_space<hbm>> -> memref<10000xi32, #tpu.memory_space<hbm>>
      %dma_start3A_73 = tpu.memref_slice %arg4[%mul3A_2] : memref<320000xi32, #tpu.memory_space<hbm>> -> memref<10000xi32, #tpu.memory_space<hbm>>
      tpu.enqueue_dma source(%dma_start3A_73 : memref<10000xi32, #tpu.memory_space<hbm>>) target(%arg8 : memref<10000xi32, #tpu.memory_space<vmem>>) target_semaphore(%run_scoped3A_71 : memref<!tpu.dma_semaphore, #tpu.memory_space<semaphore_mem>>)
      %dma_wait3A_74 = tpu.memref_slice %arg4[%mul3A_2] : memref<320000xi32, #tpu.memory_space<hbm>> -> memref<10000xi32, #tpu.memory_space<hbm>>
      %dma_wait3A_75 = tpu.memref_slice %arg4[%mul3A_2] : memref<320000xi32, #tpu.memory_space<hbm>> -> memref<10000xi32, #tpu.memory_space<hbm>>
      tpu.wait_dma2 semaphore(%run_scoped3A_71 : memref<!tpu.dma_semaphore, #tpu.memory_space<semaphore_mem>>) src(%dma_wait3A_75 : memref<10000xi32, #tpu.memory_space<hbm>>) dst(%arg8 : memref<10000xi32, #tpu.memory_space<vmem>>)
      tpu.yield
    }) : () -> ()
    %barrier3A = arith.constant 0 : index
    tpu.barrier barrier_id(%barrier3A)
    %dma_start3A = arith.constant 0 : i32
    %dma_start3A_9 = tpu.memref_slice %arg7[%dma_start3A] : memref<10000xi32, #tpu.memory_space<vmem>> -> memref<80xi32, #tpu.memory_space<vmem>>
    %dma_start3A_10 = arith.constant 0 : i32
    %dma_start3A_11 = arith.constant 0 : i32
    %dma_start3A_12 = tpu.memref_slice %arg2[%dma_start3A_10, %dma_start3A_11] : memref<10112x128xf32, #tpu.memory_space<hbm>> -> memref<10112x128xf32, #tpu.memory_space<hbm>>
    tpu.enqueue_indirect_dma source(%dma_start3A_12 : memref<10112x128xf32, #tpu.memory_space<hbm>>) target(%arg10 : memref<80x128xf32, #tpu.memory_space<vmem>>) offsets(%dma_start3A_9 : memref<80xi32, #tpu.memory_space<vmem>>) semaphore(%arg13 : memref<!tpu.dma_semaphore, #tpu.memory_space<semaphore_mem>>)
    %scan3A = arith.constant 0 : i32
    %scan3A_13 = arith.constant 0 : i32
    %scan3A_14 = arith.constant 62 : i32
    %scan3A_15 = arith.addi %scan3A_13, %scan3A_14 : i32
    %scan3A_16 = arith.constant 1 : i32
    %scan3A_17 = scf.for %scan3A_71 = %scan3A_13 to %scan3A_15 step %scan3A_16 iter_args(%scan3A_72 = %scan3A) -> (i32)  : i32 {
      %mul3A_73 = arith.constant 2 : i32
      %mul3A_74 = arith.muli %mul3A_73, %scan3A_71 : i32
      %add3A_75 = arith.constant 1 : i32
      %add3A_76 = arith.addi %mul3A_74, %add3A_75 : i32
      %mul3A_77 = arith.constant 80 : i32
      %mul3A_78 = arith.muli %add3A_76, %mul3A_77 : i32
      %dma_start3A_79 = tpu.memref_slice %arg7[%mul3A_78] : memref<10000xi32, #tpu.memory_space<vmem>> -> memref<80xi32, #tpu.memory_space<vmem>>
      %dma_start3A_80 = arith.constant 0 : i32
      %dma_start3A_81 = arith.constant 0 : i32
      %dma_start3A_82 = tpu.memref_slice %arg2[%dma_start3A_80, %dma_start3A_81] : memref<10112x128xf32, #tpu.memory_space<hbm>> -> memref<10112x128xf32, #tpu.memory_space<hbm>>
      tpu.enqueue_indirect_dma source(%dma_start3A_82 : memref<10112x128xf32, #tpu.memory_space<hbm>>) target(%arg11 : memref<80x128xf32, #tpu.memory_space<vmem>>) offsets(%dma_start3A_79 : memref<80xi32, #tpu.memory_space<vmem>>) semaphore(%arg14 : memref<!tpu.dma_semaphore, #tpu.memory_space<semaphore_mem>>)
      %mul3A_83 = arith.constant 80 : i32
      %mul3A_84 = arith.muli %mul3A_74, %mul3A_83 : i32
      %add3A_85 = arith.constant 0 : i32
      %add3A_86 = arith.addi %mul3A_84, %add3A_85 : i32
      %get3A_87 = arith.index_cast %add3A_86 : i32 to index
      %get3A_88 = tpu.vector_load %arg8[%get3A_87] {strides = array<i32>} : memref<10000xi32, #tpu.memory_space<vmem>>, vector<16xi32>,
      %get3A_89 = vector.shape_cast %get3A_88 : vector<16xi32> to vector<16xi32>
      %swap3A_90 = arith.constant 0 : i32
      %swap3A_91 = arith.index_cast %swap3A_90 : i32 to index
      %swap3A_92 = arith.constant 0 : index
      %swap3A_93 = tpu.vector_load %arg9[%swap3A_91, %swap3A_92] {strides = array<i32>} : memref<2x80xi32, #tpu.memory_space<vmem>>, vector<1x16xi32>,
      %swap3A_94 = vector.shape_cast %swap3A_93 : vector<1x16xi32> to vector<16xi32>
      %swap3A_95 = vector.shape_cast %get3A_89 : vector<16xi32> to vector<1x16xi32>
      tpu.vector_store %arg9[%swap3A_91, %swap3A_92], %swap3A_95 {strides = array<i32>} : memref<2x80xi32, #tpu.memory_space<vmem>>, vector<1x16xi32>,
      %mul3A_96 = arith.constant 80 : i32
      %mul3A_97 = arith.muli %mul3A_74, %mul3A_96 : i32
      %add3A_98 = arith.constant 16 : i32
      %add3A_99 = arith.addi %mul3A_97, %add3A_98 : i32
      %get3A_100 = arith.index_cast %add3A_99 : i32 to index
      %get3A_101 = tpu.vector_load %arg8[%get3A_100] {strides = array<i32>} : memref<10000xi32, #tpu.memory_space<vmem>>, vector<16xi32>,
      %get3A_102 = vector.shape_cast %get3A_101 : vector<16xi32> to vector<16xi32>
      %swap3A_103 = arith.constant 0 : i32
      %swap3A_104 = arith.index_cast %swap3A_103 : i32 to index
      %swap3A_105 = arith.constant 16 : index
      %swap3A_106 = tpu.vector_load %arg9[%swap3A_104, %swap3A_105] {strides = array<i32>} : memref<2x80xi32, #tpu.memory_space<vmem>>, vector<1x16xi32>,
      %swap3A_107 = vector.shape_cast %swap3A_106 : vector<1x16xi32> to vector<16xi32>
      %swap3A_108 = vector.shape_cast %get3A_102 : vector<16xi32> to vector<1x16xi32>
      tpu.vector_store %arg9[%swap3A_104, %swap3A_105], %swap3A_108 {strides = array<i32>} : memref<2x80xi32, #tpu.memory_space<vmem>>, vector<1x16xi32>,
      %mul3A_109 = arith.constant 80 : i32
      %mul3A_110 = arith.muli %mul3A_74, %mul3A_109 : i32
      %add3A_111 = arith.constant 32 : i32
      %add3A_112 = arith.addi %mul3A_110, %add3A_111 : i32
      %get3A_113 = arith.index_cast %add3A_112 : i32 to index
      %get3A_114 = tpu.vector_load %arg8[%get3A_113] {strides = array<i32>} : memref<10000xi32, #tpu.memory_space<vmem>>, vector<16xi32>,
      %get3A_115 = vector.shape_cast %get3A_114 : vector<16xi32> to vector<16xi32>
      %swap3A_116 = arith.constant 0 : i32
      %swap3A_117 = arith.index_cast %swap3A_116 : i32 to index
      %swap3A_118 = arith.constant 32 : index
      %swap3A_119 = tpu.vector_load %arg9[%swap3A_117, %swap3A_118] {strides = array<i32>} : memref<2x80xi32, #tpu.memory_space<vmem>>, vector<1x16xi32>,
      %swap3A_120 = vector.shape_cast %swap3A_119 : vector<1x16xi32> to vector<16xi32>
      %swap3A_121 = vector.shape_cast %get3A_115 : vector<16xi32> to vector<1x16xi32>
      tpu.vector_store %arg9[%swap3A_117, %swap3A_118], %swap3A_121 {strides = array<i32>} : memref<2x80xi32, #tpu.memory_space<vmem>>, vector<1x16xi32>,
      %mul3A_122 = arith.constant 80 : i32
      %mul3A_123 = arith.muli %mul3A_74, %mul3A_122 : i32
      %add3A_124 = arith.constant 48 : i32
      %add3A_125 = arith.addi %mul3A_123, %add3A_124 : i32
      %get3A_126 = arith.index_cast %add3A_125 : i32 to index
      %get3A_127 = tpu.vector_load %arg8[%get3A_126] {strides = array<i32>} : memref<10000xi32, #tpu.memory_space<vmem>>, vector<16xi32>,
      %get3A_128 = vector.shape_cast %get3A_127 : vector<16xi32> to vector<16xi32>
      %swap3A_129 = arith.constant 0 : i32
      %swap3A_130 = arith.index_cast %swap3A_129 : i32 to index
      %swap3A_131 = arith.constant 48 : index
      %swap3A_132 = tpu.vector_load %arg9[%swap3A_130, %swap3A_131] {strides = array<i32>} : memref<2x80xi32, #tpu.memory_space<vmem>>, vector<1x16xi32>,
      %swap3A_133 = vector.shape_cast %swap3A_132 : vector<1x16xi32> to vector<16xi32>
      %swap3A_134 = vector.shape_cast %get3A_128 : vector<16xi32> to vector<1x16xi32>
      tpu.vector_store %arg9[%swap3A_130, %swap3A_131], %swap3A_134 {strides = array<i32>} : memref<2x80xi32, #tpu.memory_space<vmem>>, vector<1x16xi32>,
      %mul3A_135 = arith.constant 80 : i32
      %mul3A_136 = arith.muli %mul3A_74, %mul3A_135 : i32
      %add3A_137 = arith.constant 64 : i32
      %add3A_138 = arith.addi %mul3A_136, %add3A_137 : i32
      %get3A_139 = arith.index_cast %add3A_138 : i32 to index
      %get3A_140 = tpu.vector_load %arg8[%get3A_139] {strides = array<i32>} : memref<10000xi32, #tpu.memory_space<vmem>>, vector<16xi32>,
      %get3A_141 = vector.shape_cast %get3A_140 : vector<16xi32> to vector<16xi32>
      %swap3A_142 = arith.constant 0 : i32
      %swap3A_143 = arith.index_cast %swap3A_142 : i32 to index
      %swap3A_144 = arith.constant 64 : index
      %swap3A_145 = tpu.vector_load %arg9[%swap3A_143, %swap3A_144] {strides = array<i32>} : memref<2x80xi32, #tpu.memory_space<vmem>>, vector<1x16xi32>,
      %swap3A_146 = vector.shape_cast %swap3A_145 : vector<1x16xi32> to vector<16xi32>
      %swap3A_147 = vector.shape_cast %get3A_141 : vector<16xi32> to vector<1x16xi32>
      tpu.vector_store %arg9[%swap3A_143, %swap3A_144], %swap3A_147 {strides = array<i32>} : memref<2x80xi32, #tpu.memory_space<vmem>>, vector<1x16xi32>,
      %mul3A_148 = arith.constant 80 : i32
      %mul3A_149 = arith.muli %mul3A_74, %mul3A_148 : i32
      %dma_wait3A_150 = tpu.memref_slice %arg7[%mul3A_149] : memref<10000xi32, #tpu.memory_space<vmem>> -> memref<80xi32, #tpu.memory_space<vmem>>
      %dma_wait3A_151 = arith.constant 0 : i32
      %dma_wait3A_152 = arith.constant 0 : i32
      %dma_wait3A_153 = tpu.memref_slice %arg2[%dma_wait3A_151, %dma_wait3A_152] : memref<10112x128xf32, #tpu.memory_space<hbm>> -> memref<10112x128xf32, #tpu.memory_space<hbm>>
      tpu.wait_indirect_dma semaphore(%arg13 : memref<!tpu.dma_semaphore, #tpu.memory_space<semaphore_mem>>) src(%dma_wait3A_153 : memref<10112x128xf32, #tpu.memory_space<hbm>>) dst(%arg10 : memref<80x128xf32, #tpu.memory_space<vmem>>)
      %run_scoped3A_154 = arith.constant 0 : i32
      "tpu.region"() ({
        %run_scoped3A_240 = tpu.sem_alloc : memref<!tpu.dma_semaphore, #tpu.memory_space<semaphore_mem>>
        %dma_start3A_241 = arith.constant 0 : i32
        %dma_start3A_242 = tpu.memref_slice %arg9[%run_scoped3A_154, %dma_start3A_241] : memref<2x80xi32, #tpu.memory_space<vmem>> -> memref<1x80xi32, #tpu.memory_space<vmem>>
        %dma_start3A_243 = tpu.memref_squeeze %dma_start3A_242 : memref<1x80xi32, #tpu.memory_space<vmem>> -> memref<80xi32, #tpu.memory_space<vmem>>
        %dma_start3A_244 = arith.constant 0 : i32
        %dma_start3A_245 = arith.constant 0 : i32
        %dma_start3A_246 = tpu.memref_slice %arg12[%dma_start3A_244, %dma_start3A_245] : memref<10112x128xf32, #tpu.memory_space<vmem_shared>> -> memref<10112x128xf32, #tpu.memory_space<vmem_shared>>
        tpu.enqueue_indirect_dma source(%arg10 : memref<80x128xf32, #tpu.memory_space<vmem>>) target(%dma_start3A_246 : memref<10112x128xf32, #tpu.memory_space<vmem_shared>>) offsets(%dma_start3A_243 : memref<80xi32, #tpu.memory_space<vmem>>) semaphore(%run_scoped3A_240 : memref<!tpu.dma_semaphore, #tpu.memory_space<semaphore_mem>>) {add = true}
        %dma_wait3A_247 = arith.constant 0 : i32
        %dma_wait3A_248 = tpu.memref_slice %arg9[%run_scoped3A_154, %dma_wait3A_247] : memref<2x80xi32, #tpu.memory_space<vmem>> -> memref<1x80xi32, #tpu.memory_space<vmem>>
        %dma_wait3A_249 = tpu.memref_squeeze %dma_wait3A_248 : memref<1x80xi32, #tpu.memory_space<vmem>> -> memref<80xi32, #tpu.memory_space<vmem>>
        %dma_wait3A_250 = arith.constant 0 : i32
        %dma_wait3A_251 = arith.constant 0 : i32
        %dma_wait3A_252 = tpu.memref_slice %arg12[%dma_wait3A_250, %dma_wait3A_251] : memref<10112x128xf32, #tpu.memory_space<vmem_shared>> -> memref<10112x128xf32, #tpu.memory_space<vmem_shared>>
        tpu.wait_indirect_dma semaphore(%run_scoped3A_240 : memref<!tpu.dma_semaphore, #tpu.memory_space<semaphore_mem>>) src(%arg10 : memref<80x128xf32, #tpu.memory_space<vmem>>) dst(%dma_wait3A_252 : memref<10112x128xf32, #tpu.memory_space<vmem_shared>>)
        tpu.yield
      }) : () -> ()
      %add3A_155 = arith.constant 2 : i32
      %add3A_156 = arith.addi %mul3A_74, %add3A_155 : i32
      %mul3A_157 = arith.constant 80 : i32
      %mul3A_158 = arith.muli %add3A_156, %mul3A_157 : i32
      %dma_start3A_159 = tpu.memref_slice %arg7[%mul3A_158] : memref<10000xi32, #tpu.memory_space<vmem>> -> memref<80xi32, #tpu.memory_space<vmem>>
      %dma_start3A_160 = arith.constant 0 : i32
      %dma_start3A_161 = arith.constant 0 : i32
      %dma_start3A_162 = tpu.memref_slice %arg2[%dma_start3A_160, %dma_start3A_161] : memref<10112x128xf32, #tpu.memory_space<hbm>> -> memref<10112x128xf32, #tpu.memory_space<hbm>>
      tpu.enqueue_indirect_dma source(%dma_start3A_162 : memref<10112x128xf32, #tpu.memory_space<hbm>>) target(%arg10 : memref<80x128xf32, #tpu.memory_space<vmem>>) offsets(%dma_start3A_159 : memref<80xi32, #tpu.memory_space<vmem>>) semaphore(%arg13 : memref<!tpu.dma_semaphore, #tpu.memory_space<semaphore_mem>>)
      %add3A_163 = arith.constant 1 : i32
      %add3A_164 = arith.addi %mul3A_74, %add3A_163 : i32
      %mul3A_165 = arith.constant 80 : i32
      %mul3A_166 = arith.muli %add3A_164, %mul3A_165 : i32
      %add3A_167 = arith.constant 0 : i32
      %add3A_168 = arith.addi %mul3A_166, %add3A_167 : i32
      %get3A_169 = arith.index_cast %add3A_168 : i32 to index
      %get3A_170 = tpu.vector_load %arg8[%get3A_169] {strides = array<i32>} : memref<10000xi32, #tpu.memory_space<vmem>>, vector<16xi32>,
      %get3A_171 = vector.shape_cast %get3A_170 : vector<16xi32> to vector<16xi32>
      %swap3A_172 = arith.constant 1 : i32
      %swap3A_173 = arith.index_cast %swap3A_172 : i32 to index
      %swap3A_174 = arith.constant 0 : index
      %swap3A_175 = tpu.vector_load %arg9[%swap3A_173, %swap3A_174] {strides = array<i32>} : memref<2x80xi32, #tpu.memory_space<vmem>>, vector<1x16xi32>,
      %swap3A_176 = vector.shape_cast %swap3A_175 : vector<1x16xi32> to vector<16xi32>
      %swap3A_177 = vector.shape_cast %get3A_171 : vector<16xi32> to vector<1x16xi32>
      tpu.vector_store %arg9[%swap3A_173, %swap3A_174], %swap3A_177 {strides = array<i32>} : memref<2x80xi32, #tpu.memory_space<vmem>>, vector<1x16xi32>,
      %mul3A_178 = arith.constant 80 : i32
      %mul3A_179 = arith.muli %add3A_164, %mul3A_178 : i32
      %add3A_180 = arith.constant 16 : i32
      %add3A_181 = arith.addi %mul3A_179, %add3A_180 : i32
      %get3A_182 = arith.index_cast %add3A_181 : i32 to index
      %get3A_183 = tpu.vector_load %arg8[%get3A_182] {strides = array<i32>} : memref<10000xi32, #tpu.memory_space<vmem>>, vector<16xi32>,
      %get3A_184 = vector.shape_cast %get3A_183 : vector<16xi32> to vector<16xi32>
      %swap3A_185 = arith.constant 1 : i32
      %swap3A_186 = arith.index_cast %swap3A_185 : i32 to index
      %swap3A_187 = arith.constant 16 : index
      %swap3A_188 = tpu.vector_load %arg9[%swap3A_186, %swap3A_187] {strides = array<i32>} : memref<2x80xi32, #tpu.memory_space<vmem>>, vector<1x16xi32>,
      %swap3A_189 = vector.shape_cast %swap3A_188 : vector<1x16xi32> to vector<16xi32>
      %swap3A_190 = vector.shape_cast %get3A_184 : vector<16xi32> to vector<1x16xi32>
      tpu.vector_store %arg9[%swap3A_186, %swap3A_187], %swap3A_190 {strides = array<i32>} : memref<2x80xi32, #tpu.memory_space<vmem>>, vector<1x16xi32>,
      %mul3A_191 = arith.constant 80 : i32
      %mul3A_192 = arith.muli %add3A_164, %mul3A_191 : i32
      %add3A_193 = arith.constant 32 : i32
      %add3A_194 = arith.addi %mul3A_192, %add3A_193 : i32
      %get3A_195 = arith.index_cast %add3A_194 : i32 to index
      %get3A_196 = tpu.vector_load %arg8[%get3A_195] {strides = array<i32>} : memref<10000xi32, #tpu.memory_space<vmem>>, vector<16xi32>,
      %get3A_197 = vector.shape_cast %get3A_196 : vector<16xi32> to vector<16xi32>
      %swap3A_198 = arith.constant 1 : i32
      %swap3A_199 = arith.index_cast %swap3A_198 : i32 to index
      %swap3A_200 = arith.constant 32 : index
      %swap3A_201 = tpu.vector_load %arg9[%swap3A_199, %swap3A_200] {strides = array<i32>} : memref<2x80xi32, #tpu.memory_space<vmem>>, vector<1x16xi32>,
      %swap3A_202 = vector.shape_cast %swap3A_201 : vector<1x16xi32> to vector<16xi32>
      %swap3A_203 = vector.shape_cast %get3A_197 : vector<16xi32> to vector<1x16xi32>
      tpu.vector_store %arg9[%swap3A_199, %swap3A_200], %swap3A_203 {strides = array<i32>} : memref<2x80xi32, #tpu.memory_space<vmem>>, vector<1x16xi32>,
      %mul3A_204 = arith.constant 80 : i32
      %mul3A_205 = arith.muli %add3A_164, %mul3A_204 : i32
      %add3A_206 = arith.constant 48 : i32
      %add3A_207 = arith.addi %mul3A_205, %add3A_206 : i32
      %get3A_208 = arith.index_cast %add3A_207 : i32 to index
      %get3A_209 = tpu.vector_load %arg8[%get3A_208] {strides = array<i32>} : memref<10000xi32, #tpu.memory_space<vmem>>, vector<16xi32>,
      %get3A_210 = vector.shape_cast %get3A_209 : vector<16xi32> to vector<16xi32>
      %swap3A_211 = arith.constant 1 : i32
      %swap3A_212 = arith.index_cast %swap3A_211 : i32 to index
      %swap3A_213 = arith.constant 48 : index
      %swap3A_214 = tpu.vector_load %arg9[%swap3A_212, %swap3A_213] {strides = array<i32>} : memref<2x80xi32, #tpu.memory_space<vmem>>, vector<1x16xi32>,
      %swap3A_215 = vector.shape_cast %swap3A_214 : vector<1x16xi32> to vector<16xi32>
      %swap3A_216 = vector.shape_cast %get3A_210 : vector<16xi32> to vector<1x16xi32>
      tpu.vector_store %arg9[%swap3A_212, %swap3A_213], %swap3A_216 {strides = array<i32>} : memref<2x80xi32, #tpu.memory_space<vmem>>, vector<1x16xi32>,
      %mul3A_217 = arith.constant 80 : i32
      %mul3A_218 = arith.muli %add3A_164, %mul3A_217 : i32
      %add3A_219 = arith.constant 64 : i32
      %add3A_220 = arith.addi %mul3A_218, %add3A_219 : i32
      %get3A_221 = arith.index_cast %add3A_220 : i32 to index
      %get3A_222 = tpu.vector_load %arg8[%get3A_221] {strides = array<i32>} : memref<10000xi32, #tpu.memory_space<vmem>>, vector<16xi32>,
      %get3A_223 = vector.shape_cast %get3A_222 : vector<16xi32> to vector<16xi32>
      %swap3A_224 = arith.constant 1 : i32
      %swap3A_225 = arith.index_cast %swap3A_224 : i32 to index
      %swap3A_226 = arith.constant 64 : index
      %swap3A_227 = tpu.vector_load %arg9[%swap3A_225, %swap3A_226] {strides = array<i32>} : memref<2x80xi32, #tpu.memory_space<vmem>>, vector<1x16xi32>,
      %swap3A_228 = vector.shape_cast %swap3A_227 : vector<1x16xi32> to vector<16xi32>
      %swap3A_229 = vector.shape_cast %get3A_223 : vector<16xi32> to vector<1x16xi32>
      tpu.vector_store %arg9[%swap3A_225, %swap3A_226], %swap3A_229 {strides = array<i32>} : memref<2x80xi32, #tpu.memory_space<vmem>>, vector<1x16xi32>,
      %add3A_230 = arith.constant 1 : i32
      %add3A_231 = arith.addi %mul3A_74, %add3A_230 : i32
      %mul3A_232 = arith.constant 80 : i32
      %mul3A_233 = arith.muli %add3A_231, %mul3A_232 : i32
      %dma_wait3A_234 = tpu.memref_slice %arg7[%mul3A_233] : memref<10000xi32, #tpu.memory_space<vmem>> -> memref<80xi32, #tpu.memory_space<vmem>>
      %dma_wait3A_235 = arith.constant 0 : i32
      %dma_wait3A_236 = arith.constant 0 : i32
      %dma_wait3A_237 = tpu.memref_slice %arg2[%dma_wait3A_235, %dma_wait3A_236] : memref<10112x128xf32, #tpu.memory_space<hbm>> -> memref<10112x128xf32, #tpu.memory_space<hbm>>
      tpu.wait_indirect_dma semaphore(%arg14 : memref<!tpu.dma_semaphore, #tpu.memory_space<semaphore_mem>>) src(%dma_wait3A_237 : memref<10112x128xf32, #tpu.memory_space<hbm>>) dst(%arg11 : memref<80x128xf32, #tpu.memory_space<vmem>>)
      %run_scoped3A_238 = arith.constant 1 : i32
      "tpu.region"() ({
        %run_scoped3A_240 = tpu.sem_alloc : memref<!tpu.dma_semaphore, #tpu.memory_space<semaphore_mem>>
        %dma_start3A_241 = arith.constant 0 : i32
        %dma_start3A_242 = tpu.memref_slice %arg9[%run_scoped3A_238, %dma_start3A_241] : memref<2x80xi32, #tpu.memory_space<vmem>> -> memref<1x80xi32, #tpu.memory_space<vmem>>
        %dma_start3A_243 = tpu.memref_squeeze %dma_start3A_242 : memref<1x80xi32, #tpu.memory_space<vmem>> -> memref<80xi32, #tpu.memory_space<vmem>>
        %dma_start3A_244 = arith.constant 0 : i32
        %dma_start3A_245 = arith.constant 0 : i32
        %dma_start3A_246 = tpu.memref_slice %arg12[%dma_start3A_244, %dma_start3A_245] : memref<10112x128xf32, #tpu.memory_space<vmem_shared>> -> memref<10112x128xf32, #tpu.memory_space<vmem_shared>>
        tpu.enqueue_indirect_dma source(%arg11 : memref<80x128xf32, #tpu.memory_space<vmem>>) target(%dma_start3A_246 : memref<10112x128xf32, #tpu.memory_space<vmem_shared>>) offsets(%dma_start3A_243 : memref<80xi32, #tpu.memory_space<vmem>>) semaphore(%run_scoped3A_240 : memref<!tpu.dma_semaphore, #tpu.memory_space<semaphore_mem>>) {add = true}
        %dma_wait3A_247 = arith.constant 0 : i32
        %dma_wait3A_248 = tpu.memref_slice %arg9[%run_scoped3A_238, %dma_wait3A_247] : memref<2x80xi32, #tpu.memory_space<vmem>> -> memref<1x80xi32, #tpu.memory_space<vmem>>
        %dma_wait3A_249 = tpu.memref_squeeze %dma_wait3A_248 : memref<1x80xi32, #tpu.memory_space<vmem>> -> memref<80xi32, #tpu.memory_space<vmem>>
        %dma_wait3A_250 = arith.constant 0 : i32
        %dma_wait3A_251 = arith.constant 0 : i32
        %dma_wait3A_252 = tpu.memref_slice %arg12[%dma_wait3A_250, %dma_wait3A_251] : memref<10112x128xf32, #tpu.memory_space<vmem_shared>> -> memref<10112x128xf32, #tpu.memory_space<vmem_shared>>
        tpu.wait_indirect_dma semaphore(%run_scoped3A_240 : memref<!tpu.dma_semaphore, #tpu.memory_space<semaphore_mem>>) src(%arg11 : memref<80x128xf32, #tpu.memory_space<vmem>>) dst(%dma_wait3A_252 : memref<10112x128xf32, #tpu.memory_space<vmem_shared>>)
        tpu.yield
      }) : () -> ()
      %scan3A_239 = arith.constant 0 : i32
      scf.yield %scan3A_239 : i32
    }
    %scan3A_18 = arith.constant 62 : i32
    %get3A = arith.constant 9920 : index
    %get3A_19 = tpu.vector_load %arg8[%get3A] {strides = array<i32>} : memref<10000xi32, #tpu.memory_space<vmem>>, vector<16xi32>,
    %get3A_20 = vector.shape_cast %get3A_19 : vector<16xi32> to vector<16xi32>
    %swap3A = arith.constant 0 : i32
    %swap3A_21 = arith.index_cast %swap3A : i32 to index
    %swap3A_22 = arith.constant 0 : index
    %swap3A_23 = tpu.vector_load %arg9[%swap3A_21, %swap3A_22] {strides = array<i32>} : memref<2x80xi32, #tpu.memory_space<vmem>>, vector<1x16xi32>,
    %swap3A_24 = vector.shape_cast %swap3A_23 : vector<1x16xi32> to vector<16xi32>
    %swap3A_25 = vector.shape_cast %get3A_20 : vector<16xi32> to vector<1x16xi32>
    tpu.vector_store %arg9[%swap3A_21, %swap3A_22], %swap3A_25 {strides = array<i32>} : memref<2x80xi32, #tpu.memory_space<vmem>>, vector<1x16xi32>,
    %get3A_26 = arith.constant 9936 : index
    %get3A_27 = tpu.vector_load %arg8[%get3A_26] {strides = array<i32>} : memref<10000xi32, #tpu.memory_space<vmem>>, vector<16xi32>,
    %get3A_28 = vector.shape_cast %get3A_27 : vector<16xi32> to vector<16xi32>
    %swap3A_29 = arith.constant 0 : i32
    %swap3A_30 = arith.index_cast %swap3A_29 : i32 to index
    %swap3A_31 = arith.constant 16 : index
    %swap3A_32 = tpu.vector_load %arg9[%swap3A_30, %swap3A_31] {strides = array<i32>} : memref<2x80xi32, #tpu.memory_space<vmem>>, vector<1x16xi32>,
    %swap3A_33 = vector.shape_cast %swap3A_32 : vector<1x16xi32> to vector<16xi32>
    %swap3A_34 = vector.shape_cast %get3A_28 : vector<16xi32> to vector<1x16xi32>
    tpu.vector_store %arg9[%swap3A_30, %swap3A_31], %swap3A_34 {strides = array<i32>} : memref<2x80xi32, #tpu.memory_space<vmem>>, vector<1x16xi32>,
    %get3A_35 = arith.constant 9952 : index
    %get3A_36 = tpu.vector_load %arg8[%get3A_35] {strides = array<i32>} : memref<10000xi32, #tpu.memory_space<vmem>>, vector<16xi32>,
    %get3A_37 = vector.shape_cast %get3A_36 : vector<16xi32> to vector<16xi32>
    %swap3A_38 = arith.constant 0 : i32
    %swap3A_39 = arith.index_cast %swap3A_38 : i32 to index
    %swap3A_40 = arith.constant 32 : index
    %swap3A_41 = tpu.vector_load %arg9[%swap3A_39, %swap3A_40] {strides = array<i32>} : memref<2x80xi32, #tpu.memory_space<vmem>>, vector<1x16xi32>,
    %swap3A_42 = vector.shape_cast %swap3A_41 : vector<1x16xi32> to vector<16xi32>
    %swap3A_43 = vector.shape_cast %get3A_37 : vector<16xi32> to vector<1x16xi32>
    tpu.vector_store %arg9[%swap3A_39, %swap3A_40], %swap3A_43 {strides = array<i32>} : memref<2x80xi32, #tpu.memory_space<vmem>>, vector<1x16xi32>,
    %get3A_44 = arith.constant 9968 : index
    %get3A_45 = tpu.vector_load %arg8[%get3A_44] {strides = array<i32>} : memref<10000xi32, #tpu.memory_space<vmem>>, vector<16xi32>,
    %get3A_46 = vector.shape_cast %get3A_45 : vector<16xi32> to vector<16xi32>
    %swap3A_47 = arith.constant 0 : i32
    %swap3A_48 = arith.index_cast %swap3A_47 : i32 to index
    %swap3A_49 = arith.constant 48 : index
    %swap3A_50 = tpu.vector_load %arg9[%swap3A_48, %swap3A_49] {strides = array<i32>} : memref<2x80xi32, #tpu.memory_space<vmem>>, vector<1x16xi32>,
    %swap3A_51 = vector.shape_cast %swap3A_50 : vector<1x16xi32> to vector<16xi32>
    %swap3A_52 = vector.shape_cast %get3A_46 : vector<16xi32> to vector<1x16xi32>
    tpu.vector_store %arg9[%swap3A_48, %swap3A_49], %swap3A_52 {strides = array<i32>} : memref<2x80xi32, #tpu.memory_space<vmem>>, vector<1x16xi32>,
    %get3A_53 = arith.constant 9984 : index
    %get3A_54 = tpu.vector_load %arg8[%get3A_53] {strides = array<i32>} : memref<10000xi32, #tpu.memory_space<vmem>>, vector<16xi32>,
    %get3A_55 = vector.shape_cast %get3A_54 : vector<16xi32> to vector<16xi32>
    %swap3A_56 = arith.constant 0 : i32
    %swap3A_57 = arith.index_cast %swap3A_56 : i32 to index
    %swap3A_58 = arith.constant 64 : index
    %swap3A_59 = tpu.vector_load %arg9[%swap3A_57, %swap3A_58] {strides = array<i32>} : memref<2x80xi32, #tpu.memory_space<vmem>>, vector<1x16xi32>,
    %swap3A_60 = vector.shape_cast %swap3A_59 : vector<1x16xi32> to vector<16xi32>
    %swap3A_61 = vector.shape_cast %get3A_55 : vector<16xi32> to vector<1x16xi32>
    tpu.vector_store %arg9[%swap3A_57, %swap3A_58], %swap3A_61 {strides = array<i32>} : memref<2x80xi32, #tpu.memory_space<vmem>>, vector<1x16xi32>,
    %dma_wait3A = arith.constant 9920 : i32
    %dma_wait3A_62 = tpu.memref_slice %arg7[%dma_wait3A] : memref<10000xi32, #tpu.memory_space<vmem>> -> memref<80xi32, #tpu.memory_space<vmem>>
    %dma_wait3A_63 = arith.constant 0 : i32
    %dma_wait3A_64 = arith.constant 0 : i32
    %dma_wait3A_65 = tpu.memref_slice %arg2[%dma_wait3A_63, %dma_wait3A_64] : memref<10112x128xf32, #tpu.memory_space<hbm>> -> memref<10112x128xf32, #tpu.memory_space<hbm>>
    tpu.wait_indirect_dma semaphore(%arg13 : memref<!tpu.dma_semaphore, #tpu.memory_space<semaphore_mem>>) src(%dma_wait3A_65 : memref<10112x128xf32, #tpu.memory_space<hbm>>) dst(%arg10 : memref<80x128xf32, #tpu.memory_space<vmem>>)
    %run_scoped3A = arith.constant 0 : i32
    "tpu.region"() ({
      %run_scoped3A_71 = tpu.sem_alloc : memref<!tpu.dma_semaphore, #tpu.memory_space<semaphore_mem>>
      %dma_start3A_72 = arith.constant 0 : i32
      %dma_start3A_73 = tpu.memref_slice %arg9[%run_scoped3A, %dma_start3A_72] : memref<2x80xi32, #tpu.memory_space<vmem>> -> memref<1x80xi32, #tpu.memory_space<vmem>>
      %dma_start3A_74 = tpu.memref_squeeze %dma_start3A_73 : memref<1x80xi32, #tpu.memory_space<vmem>> -> memref<80xi32, #tpu.memory_space<vmem>>
      %dma_start3A_75 = arith.constant 0 : i32
      %dma_start3A_76 = arith.constant 0 : i32
      %dma_start3A_77 = tpu.memref_slice %arg12[%dma_start3A_75, %dma_start3A_76] : memref<10112x128xf32, #tpu.memory_space<vmem_shared>> -> memref<10112x128xf32, #tpu.memory_space<vmem_shared>>
      tpu.enqueue_indirect_dma source(%arg10 : memref<80x128xf32, #tpu.memory_space<vmem>>) target(%dma_start3A_77 : memref<10112x128xf32, #tpu.memory_space<vmem_shared>>) offsets(%dma_start3A_74 : memref<80xi32, #tpu.memory_space<vmem>>) semaphore(%run_scoped3A_71 : memref<!tpu.dma_semaphore, #tpu.memory_space<semaphore_mem>>) {add = true}
      %dma_wait3A_78 = arith.constant 0 : i32
      %dma_wait3A_79 = tpu.memref_slice %arg9[%run_scoped3A, %dma_wait3A_78] : memref<2x80xi32, #tpu.memory_space<vmem>> -> memref<1x80xi32, #tpu.memory_space<vmem>>
      %dma_wait3A_80 = tpu.memref_squeeze %dma_wait3A_79 : memref<1x80xi32, #tpu.memory_space<vmem>> -> memref<80xi32, #tpu.memory_space<vmem>>
      %dma_wait3A_81 = arith.constant 0 : i32
      %dma_wait3A_82 = arith.constant 0 : i32
      %dma_wait3A_83 = tpu.memref_slice %arg12[%dma_wait3A_81, %dma_wait3A_82] : memref<10112x128xf32, #tpu.memory_space<vmem_shared>> -> memref<10112x128xf32, #tpu.memory_space<vmem_shared>>
      tpu.wait_indirect_dma semaphore(%run_scoped3A_71 : memref<!tpu.dma_semaphore, #tpu.memory_space<semaphore_mem>>) src(%arg10 : memref<80x128xf32, #tpu.memory_space<vmem>>) dst(%dma_wait3A_83 : memref<10112x128xf32, #tpu.memory_space<vmem_shared>>)
      tpu.yield
    }) : () -> ()
    %barrier3A_66 = arith.constant 0 : index
    tpu.barrier barrier_id(%barrier3A_66)
    %mul3A_67 = arith.constant 632 : i32
    %mul3A_68 = arith.muli %arg1, %mul3A_67 : i32
    %mul3A_69 = arith.constant 632 : i32
    %mul3A_70 = arith.muli %arg1, %mul3A_69 : i32
    "tpu.region"() ({
      %run_scoped3A_71 = tpu.sem_alloc : memref<!tpu.dma_semaphore, #tpu.memory_space<semaphore_mem>>
      %dma_start3A_72 = arith.constant 0 : i32
      %dma_start3A_73 = tpu.memref_slice %arg6[%arg0, %mul3A_70, %dma_start3A_72] : memref<2x10112x128xf32, #tpu.memory_space<hbm>> -> memref<1x632x128xf32, #tpu.memory_space<hbm>>
      %dma_start3A_74 = tpu.memref_squeeze %dma_start3A_73 : memref<1x632x128xf32, #tpu.memory_space<hbm>> -> memref<632x128xf32, #tpu.memory_space<hbm>>
      %dma_start3A_75 = arith.constant 0 : i32
      %dma_start3A_76 = tpu.memref_slice %arg12[%mul3A_68, %dma_start3A_75] : memref<10112x128xf32, #tpu.memory_space<vmem_shared>> -> memref<632x128xf32, #tpu.memory_space<vmem_shared>>
      tpu.enqueue_dma source(%dma_start3A_76 : memref<632x128xf32, #tpu.memory_space<vmem_shared>>) target(%dma_start3A_74 : memref<632x128xf32, #tpu.memory_space<hbm>>) target_semaphore(%run_scoped3A_71 : memref<!tpu.dma_semaphore, #tpu.memory_space<semaphore_mem>>)
      %dma_wait3A_77 = arith.constant 0 : i32
      %dma_wait3A_78 = tpu.memref_slice %arg6[%arg0, %mul3A_70, %dma_wait3A_77] : memref<2x10112x128xf32, #tpu.memory_space<hbm>> -> memref<1x632x128xf32, #tpu.memory_space<hbm>>
      %dma_wait3A_79 = tpu.memref_squeeze %dma_wait3A_78 : memref<1x632x128xf32, #tpu.memory_space<hbm>> -> memref<632x128xf32, #tpu.memory_space<hbm>>
      %dma_wait3A_80 = arith.constant 0 : i32
      %dma_wait3A_81 = tpu.memref_slice %arg12[%mul3A_68, %dma_wait3A_80] : memref<10112x128xf32, #tpu.memory_space<vmem_shared>> -> memref<632x128xf32, #tpu.memory_space<vmem_shared>>
      tpu.wait_dma2 semaphore(%run_scoped3A_71 : memref<!tpu.dma_semaphore, #tpu.memory_space<semaphore_mem>>) src(%dma_wait3A_81 : memref<632x128xf32, #tpu.memory_space<vmem_shared>>) dst(%dma_wait3A_79 : memref<632x128xf32, #tpu.memory_space<hbm>>)
      tpu.yield
    }) : () -> ()
    return
  }
}

module attributes {stable_mosaic.version = 14 : i64} {
  func.func @body(%arg0: i32, %arg1: memref<2x632x16xf32, #tpu.memory_space<vmem>>, %arg2: memref<632x128xf32, #tpu.memory_space<vmem>>, %arg3: memref<128x128xf32, #tpu.memory_space<vmem>>, %arg4: memref<632x128xf32, #tpu.memory_space<vmem>>) attributes {dimension_semantics = [#tpu.dimension_semantics<arbitrary>], iteration_bounds = array<i64: 16>, scalar_prefetch = 0 : i64, scratch_operands = 0 : i64, tpu.core_type = #tpu.core_type<tc>, window_params = [{transform_indices = @transform_0, window_bounds = array<i64: 2, 632, 16>}, {transform_indices = @transform_1, window_bounds = array<i64: 632, 128>}, {pipeline_mode = #tpu.pipeline_mode<synchronous>, transform_indices = @transform_2, window_bounds = array<i64: 128, 128>}, {transform_indices = @transform_3, window_bounds = array<i64: 632, 128>}]} {
    %get3A = arith.constant 0 : index
    %get3A_0 = arith.constant 0 : index
    %get3A_1 = arith.constant 0 : index
    %get3A_2 = vector.load %arg1[%get3A, %get3A_0, %get3A_1] : memref<2x632x16xf32, #tpu.memory_space<vmem>>, vector<1x632x1xf32>
    %get3A_3 = vector.shape_cast %get3A_2 : vector<1x632x1xf32> to vector<632x1xf32>
    %get3A_4 = arith.constant 1 : index
    %get3A_5 = arith.constant 0 : index
    %get3A_6 = arith.constant 0 : index
    %get3A_7 = vector.load %arg1[%get3A_4, %get3A_5, %get3A_6] : memref<2x632x16xf32, #tpu.memory_space<vmem>>, vector<1x632x1xf32>
    %get3A_8 = vector.shape_cast %get3A_7 : vector<1x632x1xf32> to vector<632x1xf32>
    %add3A = arith.addf %get3A_3, %get3A_8 : vector<632x1xf32>
    %rsqrt3A = math.rsqrt %add3A : vector<632x1xf32>
    %get3A_9 = arith.constant 0 : index
    %get3A_10 = arith.constant 0 : index
    %get3A_11 = vector.load %arg2[%get3A_9, %get3A_10] : memref<632x128xf32, #tpu.memory_space<vmem>>, vector<632x128xf32>
    %get3A_12 = arith.constant 0 : index
    %get3A_13 = arith.constant 0 : index
    %get3A_14 = vector.load %arg3[%get3A_12, %get3A_13] : memref<128x128xf32, #tpu.memory_space<vmem>>, vector<128x128xf32>
    %dot_general3A = arith.constant dense<0.000000e+00> : vector<632x128xf32>
    %dot_general3A_15 = tpu.matmul %get3A_11, %get3A_14, %dot_general3A {dimension_numbers = #tpu.dot_dimension_numbers<[1], [0], [0], [1], [0, 0, 1, 1], [], []>, transpose_lhs_hint = false} : vector<632x128xf32>, vector<128x128xf32>, vector<632x128xf32> -> vector<632x128xf32>
    %mul3A = vector.broadcast %rsqrt3A : vector<632x1xf32> to vector<632x128xf32>
    %mul3A_16 = arith.mulf %dot_general3A_15, %mul3A : vector<632x128xf32>
    %swap3A = arith.constant 0 : index
    %swap3A_17 = arith.constant 0 : index
    %swap3A_18 = vector.load %arg4[%swap3A, %swap3A_17] : memref<632x128xf32, #tpu.memory_space<vmem>>, vector<632x128xf32>
    tpu.vector_store %arg4[%swap3A, %swap3A_17], %mul3A_16 {strides = array<i32>} : memref<632x128xf32, #tpu.memory_space<vmem>>, vector<632x128xf32>,
    return
  }
  func.func @transform_0(%arg0: i32) -> (i32, i32, i32) {
    %c0_i32 = arith.constant 0 : i32
    %c0_i32_0 = arith.constant 0 : i32
    %c0_i32_1 = arith.constant 0 : i32
    return %c0_i32, %arg0, %c0_i32_0 : i32, i32, i32
  }
  func.func @transform_1(%arg0: i32) -> (i32, i32) {
    %c0_i32 = arith.constant 0 : i32
    %c0_i32_0 = arith.constant 0 : i32
    return %arg0, %c0_i32 : i32, i32
  }
  func.func @transform_2(%arg0: i32) -> (i32, i32) {
    %c0_i32 = arith.constant 0 : i32
    %c0_i32_0 = arith.constant 0 : i32
    %c0_i32_1 = arith.constant 0 : i32
    return %c0_i32, %c0_i32_0 : i32, i32
  }
  func.func @transform_3(%arg0: i32) -> (i32, i32) {
    %c0_i32 = arith.constant 0 : i32
    %c0_i32_0 = arith.constant 0 : i32
    return %arg0, %c0_i32 : i32, i32
  }
}

module attributes {stable_mosaic.version = 14 : i64} {
  func.func @body(%arg0: i32, %arg1: memref<2x632x16xf32, #tpu.memory_space<vmem>>, %arg2: memref<2x632x128xf32, #tpu.memory_space<vmem>>, %arg3: memref<1x128xf32, #tpu.memory_space<vmem>>, %arg4: memref<128x128xf32, #tpu.memory_space<vmem>>, %arg5: memref<632x128xf32, #tpu.memory_space<vmem>>) attributes {dimension_semantics = [#tpu.dimension_semantics<arbitrary>], iteration_bounds = array<i64: 16>, scalar_prefetch = 0 : i64, scratch_operands = 0 : i64, tpu.core_type = #tpu.core_type<tc>, window_params = [{transform_indices = @transform_0, window_bounds = array<i64: 2, 632, 16>}, {transform_indices = @transform_1, window_bounds = array<i64: 2, 632, 128>}, {pipeline_mode = #tpu.pipeline_mode<synchronous>, transform_indices = @transform_2, window_bounds = array<i64: 1, 128>}, {pipeline_mode = #tpu.pipeline_mode<synchronous>, transform_indices = @transform_3, window_bounds = array<i64: 128, 128>}, {transform_indices = @transform_4, window_bounds = array<i64: 632, 128>}]} {
    %get3A = arith.constant 0 : index
    %get3A_0 = arith.constant 0 : index
    %get3A_1 = arith.constant 0 : index
    %get3A_2 = vector.load %arg1[%get3A, %get3A_0, %get3A_1] : memref<2x632x16xf32, #tpu.memory_space<vmem>>, vector<1x632x1xf32>
    %get3A_3 = vector.shape_cast %get3A_2 : vector<1x632x1xf32> to vector<632x1xf32>
    %get3A_4 = arith.constant 1 : index
    %get3A_5 = arith.constant 0 : index
    %get3A_6 = arith.constant 0 : index
    %get3A_7 = vector.load %arg1[%get3A_4, %get3A_5, %get3A_6] : memref<2x632x16xf32, #tpu.memory_space<vmem>>, vector<1x632x1xf32>
    %get3A_8 = vector.shape_cast %get3A_7 : vector<1x632x1xf32> to vector<632x1xf32>
    %add3A = arith.addf %get3A_3, %get3A_8 : vector<632x1xf32>
    %rsqrt3A = math.rsqrt %add3A : vector<632x1xf32>
    %get3A_9 = arith.constant 0 : index
    %get3A_10 = arith.constant 0 : index
    %get3A_11 = arith.constant 0 : index
    %get3A_12 = vector.load %arg2[%get3A_9, %get3A_10, %get3A_11] : memref<2x632x128xf32, #tpu.memory_space<vmem>>, vector<1x632x128xf32>
    %get3A_13 = vector.shape_cast %get3A_12 : vector<1x632x128xf32> to vector<632x128xf32>
    %get3A_14 = arith.constant 1 : index
    %get3A_15 = arith.constant 0 : index
    %get3A_16 = arith.constant 0 : index
    %get3A_17 = vector.load %arg2[%get3A_14, %get3A_15, %get3A_16] : memref<2x632x128xf32, #tpu.memory_space<vmem>>, vector<1x632x128xf32>
    %get3A_18 = vector.shape_cast %get3A_17 : vector<1x632x128xf32> to vector<632x128xf32>
    %add3A_19 = arith.addf %get3A_13, %get3A_18 : vector<632x128xf32>
    %mul3A = vector.broadcast %rsqrt3A : vector<632x1xf32> to vector<632x128xf32>
    %mul3A_20 = arith.mulf %add3A_19, %mul3A : vector<632x128xf32>
    %get3A_21 = arith.constant 0 : index
    %get3A_22 = arith.constant 0 : index
    %get3A_23 = vector.load %arg3[%get3A_21, %get3A_22] : memref<1x128xf32, #tpu.memory_space<vmem>>, vector<1x128xf32>
    %add3A_24 = vector.broadcast %get3A_23 : vector<1x128xf32> to vector<632x128xf32>
    %add3A_25 = arith.addf %mul3A_20, %add3A_24 : vector<632x128xf32>
    %max3A = arith.constant 0.000000e+00 : f32
    %max3A_26 = vector.broadcast %max3A : f32 to vector<632x128xf32>
    %max3A_27 = arith.maximumf %add3A_25, %max3A_26 : vector<632x128xf32>
    %get3A_28 = arith.constant 0 : index
    %get3A_29 = arith.constant 0 : index
    %get3A_30 = vector.load %arg4[%get3A_28, %get3A_29] : memref<128x128xf32, #tpu.memory_space<vmem>>, vector<128x128xf32>
    %dot_general3A = arith.constant dense<0.000000e+00> : vector<632x128xf32>
    %dot_general3A_31 = tpu.matmul %max3A_27, %get3A_30, %dot_general3A {dimension_numbers = #tpu.dot_dimension_numbers<[1], [0], [0], [1], [0, 0, 1, 1], [], []>, transpose_lhs_hint = false} : vector<632x128xf32>, vector<128x128xf32>, vector<632x128xf32> -> vector<632x128xf32>
    %mul3A_32 = vector.broadcast %rsqrt3A : vector<632x1xf32> to vector<632x128xf32>
    %mul3A_33 = arith.mulf %dot_general3A_31, %mul3A_32 : vector<632x128xf32>
    %swap3A = arith.constant 0 : index
    %swap3A_34 = arith.constant 0 : index
    %swap3A_35 = vector.load %arg5[%swap3A, %swap3A_34] : memref<632x128xf32, #tpu.memory_space<vmem>>, vector<632x128xf32>
    tpu.vector_store %arg5[%swap3A, %swap3A_34], %mul3A_33 {strides = array<i32>} : memref<632x128xf32, #tpu.memory_space<vmem>>, vector<632x128xf32>,
    return
  }
  func.func @transform_0(%arg0: i32) -> (i32, i32, i32) {
    %c0_i32 = arith.constant 0 : i32
    %c0_i32_0 = arith.constant 0 : i32
    %c0_i32_1 = arith.constant 0 : i32
    return %c0_i32, %arg0, %c0_i32_0 : i32, i32, i32
  }
  func.func @transform_1(%arg0: i32) -> (i32, i32, i32) {
    %c0_i32 = arith.constant 0 : i32
    %c0_i32_0 = arith.constant 0 : i32
    %c0_i32_1 = arith.constant 0 : i32
    return %c0_i32, %arg0, %c0_i32_0 : i32, i32, i32
  }
  func.func @transform_2(%arg0: i32) -> (i32, i32) {
    %c0_i32 = arith.constant 0 : i32
    %c0_i32_0 = arith.constant 0 : i32
    %c0_i32_1 = arith.constant 0 : i32
    return %c0_i32, %c0_i32_0 : i32, i32
  }
  func.func @transform_3(%arg0: i32) -> (i32, i32) {
    %c0_i32 = arith.constant 0 : i32
    %c0_i32_0 = arith.constant 0 : i32
    %c0_i32_1 = arith.constant 0 : i32
    return %c0_i32, %c0_i32_0 : i32, i32
  }
  func.func @transform_4(%arg0: i32) -> (i32, i32) {
    %c0_i32 = arith.constant 0 : i32
    %c0_i32_0 = arith.constant 0 : i32
    return %arg0, %c0_i32 : i32, i32
  }
}

module attributes {stable_mosaic.version = 14 : i64} {
  func.func @body(%arg0: i32, %arg1: memref<2x1000x16xf32, #tpu.memory_space<vmem>>, %arg2: memref<2x1000x128xf32, #tpu.memory_space<vmem>>, %arg3: memref<1x128xf32, #tpu.memory_space<vmem>>, %arg4: memref<128x64xf32, #tpu.memory_space<vmem>>, %arg5: memref<1x64xf32, #tpu.memory_space<vmem>>, %arg6: memref<1000x64xf32, #tpu.memory_space<vmem>>) attributes {dimension_semantics = [#tpu.dimension_semantics<arbitrary>], iteration_bounds = array<i64: 10>, scalar_prefetch = 0 : i64, scratch_operands = 0 : i64, tpu.core_type = #tpu.core_type<tc>, window_params = [{transform_indices = @transform_0, window_bounds = array<i64: 2, 1000, 16>}, {transform_indices = @transform_1, window_bounds = array<i64: 2, 1000, 128>}, {pipeline_mode = #tpu.pipeline_mode<synchronous>, transform_indices = @transform_2, window_bounds = array<i64: 1, 128>}, {pipeline_mode = #tpu.pipeline_mode<synchronous>, transform_indices = @transform_3, window_bounds = array<i64: 128, 64>}, {pipeline_mode = #tpu.pipeline_mode<synchronous>, transform_indices = @transform_4, window_bounds = array<i64: 1, 64>}, {transform_indices = @transform_5, window_bounds = array<i64: 1000, 64>}]} {
    %get3A = arith.constant 0 : index
    %get3A_0 = arith.constant 0 : index
    %get3A_1 = arith.constant 0 : index
    %get3A_2 = vector.load %arg1[%get3A, %get3A_0, %get3A_1] : memref<2x1000x16xf32, #tpu.memory_space<vmem>>, vector<1x1000x1xf32>
    %get3A_3 = vector.shape_cast %get3A_2 : vector<1x1000x1xf32> to vector<1000x1xf32>
    %get3A_4 = arith.constant 1 : index
    %get3A_5 = arith.constant 0 : index
    %get3A_6 = arith.constant 0 : index
    %get3A_7 = vector.load %arg1[%get3A_4, %get3A_5, %get3A_6] : memref<2x1000x16xf32, #tpu.memory_space<vmem>>, vector<1x1000x1xf32>
    %get3A_8 = vector.shape_cast %get3A_7 : vector<1x1000x1xf32> to vector<1000x1xf32>
    %add3A = arith.addf %get3A_3, %get3A_8 : vector<1000x1xf32>
    %rsqrt3A = math.rsqrt %add3A : vector<1000x1xf32>
    %get3A_9 = arith.constant 0 : index
    %get3A_10 = arith.constant 0 : index
    %get3A_11 = arith.constant 0 : index
    %get3A_12 = vector.load %arg2[%get3A_9, %get3A_10, %get3A_11] : memref<2x1000x128xf32, #tpu.memory_space<vmem>>, vector<1x1000x128xf32>
    %get3A_13 = vector.shape_cast %get3A_12 : vector<1x1000x128xf32> to vector<1000x128xf32>
    %get3A_14 = arith.constant 1 : index
    %get3A_15 = arith.constant 0 : index
    %get3A_16 = arith.constant 0 : index
    %get3A_17 = vector.load %arg2[%get3A_14, %get3A_15, %get3A_16] : memref<2x1000x128xf32, #tpu.memory_space<vmem>>, vector<1x1000x128xf32>
    %get3A_18 = vector.shape_cast %get3A_17 : vector<1x1000x128xf32> to vector<1000x128xf32>
    %add3A_19 = arith.addf %get3A_13, %get3A_18 : vector<1000x128xf32>
    %mul3A = vector.broadcast %rsqrt3A : vector<1000x1xf32> to vector<1000x128xf32>
    %mul3A_20 = arith.mulf %add3A_19, %mul3A : vector<1000x128xf32>
    %get3A_21 = arith.constant 0 : index
    %get3A_22 = arith.constant 0 : index
    %get3A_23 = vector.load %arg3[%get3A_21, %get3A_22] : memref<1x128xf32, #tpu.memory_space<vmem>>, vector<1x128xf32>
    %add3A_24 = vector.broadcast %get3A_23 : vector<1x128xf32> to vector<1000x128xf32>
    %add3A_25 = arith.addf %mul3A_20, %add3A_24 : vector<1000x128xf32>
    %max3A = arith.constant 0.000000e+00 : f32
    %max3A_26 = vector.broadcast %max3A : f32 to vector<1000x128xf32>
    %max3A_27 = arith.maximumf %add3A_25, %max3A_26 : vector<1000x128xf32>
    %get3A_28 = arith.constant 0 : index
    %get3A_29 = arith.constant 0 : index
    %get3A_30 = vector.load %arg4[%get3A_28, %get3A_29] : memref<128x64xf32, #tpu.memory_space<vmem>>, vector<128x64xf32>
    %dot_general3A = arith.constant dense<0.000000e+00> : vector<1000x64xf32>
    %dot_general3A_31 = tpu.matmul %max3A_27, %get3A_30, %dot_general3A {dimension_numbers = #tpu.dot_dimension_numbers<[1], [0], [0], [1], [0, 0, 1, 1], [], []>, transpose_lhs_hint = false} : vector<1000x128xf32>, vector<128x64xf32>, vector<1000x64xf32> -> vector<1000x64xf32>
    %get3A_32 = arith.constant 0 : index
    %get3A_33 = arith.constant 0 : index
    %get3A_34 = vector.load %arg5[%get3A_32, %get3A_33] : memref<1x64xf32, #tpu.memory_space<vmem>>, vector<1x64xf32>
    %add3A_35 = vector.broadcast %get3A_34 : vector<1x64xf32> to vector<1000x64xf32>
    %add3A_36 = arith.addf %dot_general3A_31, %add3A_35 : vector<1000x64xf32>
    %swap3A = arith.constant 0 : index
    %swap3A_37 = arith.constant 0 : index
    %swap3A_38 = vector.load %arg6[%swap3A, %swap3A_37] : memref<1000x64xf32, #tpu.memory_space<vmem>>, vector<1000x64xf32>
    tpu.vector_store %arg6[%swap3A, %swap3A_37], %add3A_36 {strides = array<i32>} : memref<1000x64xf32, #tpu.memory_space<vmem>>, vector<1000x64xf32>,
    return
  }
  func.func @transform_0(%arg0: i32) -> (i32, i32, i32) {
    %c0_i32 = arith.constant 0 : i32
    %c0_i32_0 = arith.constant 0 : i32
    %c0_i32_1 = arith.constant 0 : i32
    return %c0_i32, %arg0, %c0_i32_0 : i32, i32, i32
  }
  func.func @transform_1(%arg0: i32) -> (i32, i32, i32) {
    %c0_i32 = arith.constant 0 : i32
    %c0_i32_0 = arith.constant 0 : i32
    %c0_i32_1 = arith.constant 0 : i32
    return %c0_i32, %arg0, %c0_i32_0 : i32, i32, i32
  }
  func.func @transform_2(%arg0: i32) -> (i32, i32) {
    %c0_i32 = arith.constant 0 : i32
    %c0_i32_0 = arith.constant 0 : i32
    %c0_i32_1 = arith.constant 0 : i32
    return %c0_i32, %c0_i32_0 : i32, i32
  }
  func.func @transform_3(%arg0: i32) -> (i32, i32) {
    %c0_i32 = arith.constant 0 : i32
    %c0_i32_0 = arith.constant 0 : i32
    %c0_i32_1 = arith.constant 0 : i32
    return %c0_i32, %c0_i32_0 : i32, i32
  }
  func.func @transform_4(%arg0: i32) -> (i32, i32) {
    %c0_i32 = arith.constant 0 : i32
    %c0_i32_0 = arith.constant 0 : i32
    %c0_i32_1 = arith.constant 0 : i32
    return %c0_i32, %c0_i32_0 : i32, i32
  }
  func.func @transform_5(%arg0: i32) -> (i32, i32) {
    %c0_i32 = arith.constant 0 : i32
    %c0_i32_0 = arith.constant 0 : i32
    return %arg0, %c0_i32 : i32, i32
  }
}

</mosaic_0001>

<sc_bundles>
// kernel: kernel.11.cloned.1.call-start
scs
__scs_entry_jumppad:
0x0: {  	(pc) =	sbr.rel $0x88, $3  }
0x1: {  	(tag) =	ssettag $0x0;
	lr =	simm.s32 $0x1  }
0x2: {  	[smem:$0x3F99] =	sst lr;
	_ =	strace $0xD0000000  }
0x3: {  	_ = 	snop  }
0x4: {  	_ = 	snop  }
0x5: {  	_ = 	snop  }
0x6: {  	_ = 	snop  }
0x7: {  	_ = 	snop  }
__scs_overlays_trampoline_lowered:
0x8: {  	[smem:$0x3FA8] =	sst s0  }
0x9: {  	[smem:$0x3FA9] =	sst s1  }
0xa: {  	[smem:$0x3FAA] =	sst s2  }
0xb: {  	[smem:$0x3FAB] =	sst s3  }
0xc: {  	[smem:$0x3FAC] =	sst s4  }
0xd: {  	[smem:$0x3FAD] =	sst s5  }
0xe: {  	[smem:$0x3FAE] =	sst s6  }
0xf: {  	[smem:$0x3FAF] =	sst s7  }
0x10: {  	[smem:$0x3FB0] =	sst s8  }
0x11: {  	[smem:$0x3FB1] =	sst s9;
	s0 =	simm.s32 @!p0 $0x0  }
0x12: {  	s1 =	sld [smem:$0x3F97];
	s0 =	simm.s32 @p0 $0x1  }
0x13: {  	[smem:$0x3FB2] =	sst s0;
	s0 =	simm.s32 @!p1 $0x0  }
0x14: {  	s2 =	sld [smem:$0x3F96];
	s0 =	simm.s32 @p1 $0x1  }
0x15: {  	[smem:$0x3FB3] =	sst s0;
	s0 =	simm.s32 @!p2 $0x0  }
0x16: {  	s3 =	sld [smem:$0x3FDB];
	s0 =	simm.s32 @p2 $0x1  }
0x17: {  	s4 =	simm.s32 $0x1BF5;
	[smem:$0x3FB5] =	sst s0  }
0x18: {  	s0 =	sld [smem:$0x3F98];
	_ =	swait.ge [sflag:s4], $0x0  }
0x19: {  	s7 =	sld [smem:$0x3F99]  }
0x1a: {  	s8 =	sadd.s32 $0xFFFFE003, lr  }
0x1b: {  	s9 =	sadd.s32 $0xFFFFFEF7, lr;
	s5 =	simm.s32 $0xFFFFFFFF;
	p2 =	slt.u32 s8, $0xFFFFF086  }
0x1c: {  	p1 =	slt.u32 s9, $0xF7A;
	s5 =	simm.s32 @!p2 $0x0  }
0x1d: {  	s5 =	simm.s32 @p1 $0x1;
	p0 =	seq.s32 s7, s2  }
0x1e: {  	s7 =	smul.u32 @!p0 $0xF7A, s2;
	p2 =	seq.s32 @!p0 s5, $0x0  }
0x1f: {  	s9 =	smul.u32 $0xF7A, s1;
	s8 =	simm.s32 @!p0 $0x1BF5;
	p2 =	por !p2, p0  }
0x20: {  	[sflag:s8] =	ssyncset.s32 @!p0 $0xFFFFF086;
	s6 =	sadd.s32 @!p0 s3, s7;
	s7 =	simm.s32 @!p0 $0x108  }
0x21: {  	s3 =	sadd.s32 s3, s9;
	s6 =	sadd.s32 @!p0 $0x88, s6;
	s7 =	simm.s32 @p2 $0x1082  }
0x22: {  	[simem:s7], [sflag:s8] =	dma.local @!p0 [hbm:s6], $0xF7A  }
0x23: {  	s9 =	sor.u32 $0xD0000000, s2;
	s6 =	simm.s32 $0x108;
	_ =	swait.ge @!p0 [sflag:s8], $0x0  }
0x24: {  	s3 =	sadd.s32 $0x88, s3;
	s6 =	simm.s32 @!p1 $0x1082;
	[sflag:s4] =	ssyncset.s32 $0xFFFFF086  }
0x25: {  	[simem:s6], [sflag:s4] =	dma.local [hbm:s3], $0xF7A  }
0x26: {  	[smem:$0x3F99] =	sst s1;
	(tag) =	ssettag s2;
	_ =	strace s9  }
0x27: {  	s1 =	sld [smem:$0x3FA9]  }
0x28: {  	s2 =	sld [smem:$0x3FAA]  }
0x29: {  	s4 =	sld [smem:$0x3FAC]  }
0x2a: {  	p0 =	seq.s32 s5, $0x0;
	s5 =	sld [smem:$0x3FAD]  }
0x2b: {  	s6 =	sld [smem:$0x3FAE]  }
0x2c: {  	s7 =	sld [smem:$0x3FAF]  }
0x2d: {  	s3 =	simm.s32 $0x108;
	s8 =	sld [smem:$0x3FB0]  }
0x2e: {  	s3 =	simm.s32 @!p0 $0x1082;
	s9 =	sld [smem:$0x3FB1]  }
0x2f: {  	lr =	sadd.s32 s0, s3;
	s0 =	sld [smem:$0x3FA8]  }
0x30: {  	s3 =	sld [smem:$0x3FAB]  }
0x31: {  	[smem:$0x3FB4] =	sst s10  }
0x32: {  	s10 =	sld [smem:$0x3FB2];
	_ =	sdelay $0x3  }
0x33: {  	p0 =	seq.s32 s10, $0x1;
	s10 =	sld [smem:$0x3FB4];
	_ =	sdelay $0x3  }
0x34: {  	[smem:$0x3FB4] =	sst s10  }
0x35: {  	s10 =	sld [smem:$0x3FB3];
	_ =	sdelay $0x3  }
0x36: {  	p1 =	seq.s32 s10, $0x1;
	s10 =	sld [smem:$0x3FB4];
	_ =	sdelay $0x3  }
0x37: {  	[smem:$0x3FB4] =	sst s10  }
0x38: {  	s10 =	sld [smem:$0x3FB5]  }
0x39: {  	_ = 	snop;
	(pc) =	sbr.ind lr, $3  }
0x3a: {  	_ = 	snop  }
0x3b: {  	_ = 	snop  }
0x3c: {  	p2 =	seq.s32 s10, $0x1;
	s10 =	sld [smem:$0x3FB4]  }
0x3d: {  	_ =	shalt  }
0x3e: {  	_ =	shalt  }
0x3f: {  	_ =	shalt  }
0x40: {  	_ =	shalt  }
0x41: {  	_ =	shalt  }
0x42: {  	_ =	shalt  }
0x43: {  	_ =	shalt  }
0x44: {  	_ =	shalt  }
0x45: {  	_ =	shalt  }
0x46: {  	_ =	shalt  }
0x47: {  	_ =	shalt  }
0x48: {  	_ =	shalt  }
0x49: {  	_ =	shalt  }
0x4a: {  	_ =	shalt  }
0x4b: {  	_ =	shalt  }
0x4c: {  	_ =	shalt  }
0x4d: {  	_ =	shalt  }
0x4e: {  	_ =	shalt  }
0x4f: {  	_ =	shalt  }
0x50: {  	_ =	shalt  }
0x51: {  	_ =	shalt  }
0x52: {  	_ =	shalt  }
0x53: {  	_ =	shalt  }
0x54: {  	_ =	shalt  }
0x55: {  	_ =	shalt  }
0x56: {  	_ =	shalt  }
0x57: {  	_ =	shalt  }
0x58: {  	_ =	shalt  }
0x59: {  	_ =	shalt  }
0x5a: {  	_ =	shalt  }
0x5b: {  	_ =	shalt  }
0x5c: {  	_ =	shalt  }
0x5d: {  	_ =	shalt  }
0x5e: {  	_ =	shalt  }
0x5f: {  	_ =	shalt  }
0x60: {  	_ =	shalt  }
0x61: {  	_ =	shalt  }
0x62: {  	_ =	shalt  }
0x63: {  	_ =	shalt  }
0x64: {  	_ =	shalt  }
0x65: {  	_ =	shalt  }
0x66: {  	_ =	shalt  }
0x67: {  	_ =	shalt  }
0x68: {  	_ =	shalt  }
0x69: {  	_ =	shalt  }
0x6a: {  	_ =	shalt  }
0x6b: {  	_ =	shalt  }
0x6c: {  	_ =	shalt  }
0x6d: {  	_ =	shalt  }
0x6e: {  	_ =	shalt  }
0x6f: {  	_ =	shalt  }
0x70: {  	_ =	shalt  }
0x71: {  	_ =	shalt  }
0x72: {  	_ =	shalt  }
0x73: {  	_ =	shalt  }
0x74: {  	_ =	shalt  }
0x75: {  	_ =	shalt  }
0x76: {  	_ =	shalt  }
0x77: {  	_ =	shalt  }
0x78: {  	_ =	shalt  }
0x79: {  	_ =	shalt  }
0x7a: {  	_ =	shalt  }
0x7b: {  	_ =	shalt  }
0x7c: {  	_ =	shalt  }
0x7d: {  	_ =	shalt  }
0x7e: {  	_ =	shalt  }
0x7f: {  	_ =	shalt  }
0x80: {  	_ =	shalt  }
0x81: {  	_ =	shalt  }
0x82: {  	_ =	shalt  }
0x83: {  	_ =	shalt  }
0x84: {  	_ =	shalt  }
0x85: {  	_ =	shalt  }
0x86: {  	_ =	shalt  }
0x87: {  	_ =	shalt  }
.Lfunc_end0:
.L_simem_size_0:
called_computation.1_lowered:
.L_overlay_start_0:
0x88: {  	s2 =	sld [smem:$0x3FD9]  }
0x89: {  	s3 =	sld [smem:$0x3FFE];
	_ =	sdelay $0x1  }
0x8a: {  	s1 =	srdreg.scid  }
0x8b: {  	s0 =	sand.u32 $0x1, s1  }
0x8c: {  	s17 =	sshll.u32 s0, $0xA;
	s2 =	sadd.s32 s3, s2  }
0x8d: {  	s2 =	sadd.s32 s2, s17  }
0x8e: {  	[smem:$0x3FC0] =	sst s2  }
0x8f: {  	_ = 	snop  }
0x90: {  	s2 =	sld [smem:$0x3FD0];
	(tm) =	ssettm $0x1  }
0x91: {  	s18 =	sld [smem:$0x3FFB];
	_ =	sdelay $0x3  }
0x92: {  	_ =	strace s18  }
0x93: {  	s3 =	sld [smem:$0x3FFC];
	_ =	sdelay $0x3  }
0x94: {  	_ =	strace s3  }
0x95: {  	s3 =	sld [smem:$0x3FFD];
	_ =	sdelay $0x3  }
0x96: {  	_ =	strace s3  }
0x97: {  	_ =	strace $0x8FFFFFFF  }
0x98: {  	s19 =	sld [smem:$0x3FDB];
	_ =	sdelay $0x1  }
0x99: {  	s4 =	simm.s32 $_scs_section_size  }
0x9a: {  	s5 =	simm.s32 $_size__tile_overlayer_lowered;
	s6 =	simm.s32 $_tile_overlayer_lowered  }
0x9b: {  	s22 =	simm.s32 $0x1BFF;
	s21 =	sshll.u32 s6, $0x1;
	s3 =	sadd.s32 s4, s19  }
0x9c: {  	s7 =	simm.s32 $0x0;
	s20 =	sshll.u32 s5, $0x1;
	s5 =	sadd.s32 s21, s3  }
0x9d: {  	[timem:s7], [sflag:s22] =	dma.local [hbm:s5], s20  }
0x9e: {  	_ =	swait.ge [sflag:s22], s20  }
0x9f: {  	s4 =	ssub.s32 $0x0, s20;
	[sflag:s22] =	ssyncset.done $0x0  }
0xa0: {  	[sflag:s22] =	ssyncadd.s32 s4;
	_ =	sdelay $0x1  }
0xa1: {  	s23 =	simm.s32 $0x1B8B  }
0xa2: {  	_ =	swait.ge [sflag:s23], $0x1  }
0xa3: {  	[sflag:s23] =	ssyncset.done $0x0  }
0xa4: {  	s25 =	simm.s32 $0x1B8E;
	s24 =	sld [smem:$0x3FFE];
	[sflag:s23] =	ssyncadd.s32 $0xFFFFFFFF  }
0xa5: {  	s26 =	simm.s32 $execute0_lowered;
	[smem:$0x3FD2] =	sst s25  }
0xa6: {  	s5 =	sshll.u32 s26, $0x1;
	_ =	strace $0x80000049;
	[dreg:$0x1] =	wrdreg $0xFFFFFFFF  }
0xa7: {  	s28 =	simm.s32 $_size_execute0_lowered;
	s3 =	sadd.s32 s3, s5;
	[dreg:$0x0] =	wrdreg $0x0  }
0xa8: {  	s5 =	sshll.u32 s28, $0x1;
	[dreg:$0x2] =	wrdreg s3  }
0xa9: {  	[dreg:$0x3] =	wrdreg s5  }
0xaa: {  	[dreg:$0x4] =	wrdreg $0xC0  }
0xab: {  	_ =	task [dreg:s7], $0x5FFFF  }
0xac: {  	[dreg:$0x1] =	wrdreg $0xFFFFFFFF  }
0xad: {  	[dreg:$0x0] =	wrdreg $0x60  }
0xae: {  	[dreg:$0x2] =	wrdreg s24  }
0xaf: {  	[dreg:$0x3] =	wrdreg s2  }
0xb0: {  	[dreg:$0x4] =	wrdreg $0xA0000  }
0xb1: {  	[dreg:$0x5] =	wrdreg $0x9  }
0xb2: {  	_ =	task.clear_ibuf [dreg:s7], $0x6FFFF;
	_ =	strace $0x90000049  }
0xb3: {  	s29 =	simm.s32 $0x9;
	_ =	strace $0x8000004B  }
0xb4: {  	_ =	swait.ge [sflag:s29], $0x1  }
0xb5: {  	[sflag:s29] =	ssyncadd.s32 $0xFFFFFFFF  }
0xb6: {  	_ =	strace $0x9000004B  }
0xb7: {  	_ =	sfence  }
0xb8: {  	s30 =	sld [smem:$0x0];
	_ =	sdelay $0x2  }
0xb9: {  	s31 =	sshll.u32 s1, $0xD;
	s1 =	sshrl.u32 s1, $0x2  }
0xba: {  	s3 =	sand.u32 $0x4000, s31;
	s1 =	sadd.s32 s1, s30  }
0xbb: {  	s0 =	sor.u32 s3, s0;
	s1 =	sshll.u32 s1, $0x11  }
0xbc: {  	s0 =	sor.u32 s1, s0  }
0xbd: {  	s0 =	sadd.s32 $0x8F2B, s0  }
0xbe: {  	[sflag:s0] =	ssyncadd.remote.s32 $0x1  }
0xbf: {  	_ =	sfence.sel $0xFFFF  }
0xc0: {  	[dreg:$0x0] =	wrdreg $0xFFFFFFFF;
	(pc) =	sbr.abs _section_cstart, $3  }
0xc1: {  	[dreg:$0x1] =	wrdreg $0xFFFFFFFF  }
0xc2: {  	_ =	task.clear_ibuf [dreg:s7], $0x2FFFF;
	_ =	strace $0x9FFFFFFF  }
0xc3: {  	(tm) =	ssettm $0x7FFFFFFF  }
tec
execute0_lowered:
.L_overlay_start_1:
0x0: {  	(tag) =	ssettag $0x1  }
0x1: {  	s5 =	rddreg [dreg:$0x0]  }
0x2: {  	s1 =	srdreg.scid;
	s6 =	rddreg [dreg:$0x1]  }
0x3: {  	s0 =	stileid.u32;
	s2 =	rddreg [dreg:$0x2];
	s3 =	simm.s32 $0x0  }
0x4: {  	s16 =	simm.s32 $0x7800;
	s17 =	simm.s32 $0x1;
	s18 =	simm.s32 $0x4F00  }
0x5: {  	s19 =	simm.s32 $0x2;
	s20 =	simm.s32 $0x4F80;
	s21 =	simm.s32 $0x0  }
0x6: {  	s9 =	sand.u32 $0x1, s1;
	s1 =	rddreg [dreg:$0x3];
	s10 =	smul.u32 $0x13C00, s0  }
0x7: {  	s28 =	sshll.u32 s0, $0x1;
	[smem:$0x7FF] =	sst s3;
	s13 =	smul.u32 $0x4F000, s0  }
0x8: {  	s12 =	sadd.s32 $0x33400, s5;
	s15 =	smul.u32 $0x2780, s0;
	s31 =	sshll.u32 s0, $0x6  }
0x9: {  	s4 =	sor.u32 s9, s28;
	s8 =	smul.u32 $0x13C000, s9;
	_ =	strace $0x8000004A  }
0xa: {  	s29 =	ssub.s32 $0x2, s9;
	p0 =	sne.s32 s9, $0x0;
	s7 =	smul.u32 $0x4E2, s4  }
0xb: {  	s4 =	sadd.s32 $0xBC00, s5;
	s14 =	sshrl.u32 s29, $0x1;
	s30 =	sshrl.u32 s13, $0x2  }
0xc: {  	s8 =	sadd.s32 s10, s8;
	s10 =	ssub.s32 s29, s14;
	s13 =	sadd.s32 s30, s2  }
0xd: {  	s14 =	simm.s32 $0x50;
	s11 =	sadd.s32 s7, s5;
	s8 =	sshrl.u32 s8, $0x3  }
0xe: {  	s6 =	sadd.s32 s6, s7;
	s9 =	smax.u32 s10, $0x1;
	s10 =	sor.u32 $0x1C03, s31  }
0xf: {  	s8 =	sadd.s32 s8, s5;
	s5 =	sadd.s32 s4, s15;
	s7 =	sadd.s32 $0x1E00, s11  }
0x10: {  	s11 =	sshrl.u32 s13, $0x3;
	s13 =	simm.s32 $0x2780;
	s15 =	simm.s32 $0x5000  }
0x11: {  	s8 =	sadd.s32 $0x35C00, s8;
	s5 =	smov.u32 @p0 s12;
	s12 =	simm.s32 $0x3  }
.LBB2_1:
0x12: {  	[spmem:s11], [sflag:s10] =	dma.local [hbm:s5], $0x2780  }
0x13: {  	_ =	swait.ge [sflag:s12], $0x2780  }
0x14: {  	[sflag:s12] =	ssyncset.done $0x0  }
0x15: {  	[sflag:s12] =	ssyncadd.s32 $0xFFFFD880  }
0x16: {  	[tilespmem:s3], [sflag:$0x3] =	stream.linear.gather [hbm4b:s6+s3], $0x2710, $0x38;
	[tilespmem:$0x1DC00] =	vst v63  }
0x17: {  	_ =	swait.ge [sflag:s12], $0x2710  }
0x18: {  	[sflag:s12] =	ssyncset.done $0x0  }
0x19: {  	[sflag:s12] =	ssyncadd.s32 $0xFFFFD8F0  }
0x1a: {  	[tilespmem:s13], [sflag:$0x3] =	stream.linear.gather [hbm4b:s7+s3], $0x2710, $0x38;
	[tilespmem:$0x1DC00] =	vst v63  }
0x1b: {  	_ =	swait.ge [sflag:s12], $0x2710  }
0x1c: {  	[sflag:s12] =	ssyncset.done $0x0  }
0x1d: {  	[sflag:s12] =	ssyncadd.s32 $0xFFFFD8F0  }
0x1e: {  	[bflag:$0x0] =	sbarrier.arrive $0xFFFF  }
0x1f: {  	[tilespmem:s15], [sflag:$0x1] =	stream.indirect.gather [hbm4b:s4+s14], $0x80, s3, s14, $0xb8;
	[tilespmem:$0x1DC00] =	vst v63  }
0x20: {  	s22 =	simm.s32 $0x27D0;
	s23 =	simm.s32 $0x50  }
0x21: {  	[tilespmem:s16], [sflag:$0x2] =	stream.indirect.gather [hbm4b:s4+s14], $0x80, s23, s14, $0xb8;
	[tilespmem:$0x1DC00] =	vst v63  }
0x22: {  	v0 =	vld [tilespmem:s22+$0xFFFFFFB0];
	_ =	sdelay $0x4  }
0x23: {  	[tilespmem:$0x4F00] =	vst v0  }
0x24: {  	v0 =	vld [tilespmem:s22+$0xFFFFFFC0];
	_ =	sdelay $0x4  }
0x25: {  	[tilespmem:$0x4F10] =	vst v0  }
0x26: {  	v0 =	vld [tilespmem:s22+$0xFFFFFFD0];
	_ =	sdelay $0x4  }
0x27: {  	[tilespmem:$0x4F20] =	vst v0  }
0x28: {  	v0 =	vld [tilespmem:s22+$0xFFFFFFE0];
	_ =	sdelay $0x4  }
0x29: {  	[tilespmem:$0x4F30] =	vst v0  }
0x2a: {  	v0 =	vld [tilespmem:s22+$0xFFFFFFF0];
	_ =	sdelay $0x4  }
0x2b: {  	[tilespmem:$0x4F40] =	vst v0  }
0x2c: {  	_ =	swait.ge [sflag:s17], $0x2800  }
0x2d: {  	[sflag:s17] =	ssyncset.done $0x0  }
0x2e: {  	[sflag:s17] =	ssyncadd.s32 $0xFFFFD800  }
0x2f: {  	[spmem:s2] =	stream.indirect.scatter.add.f32 [tilespmem:s15], [sflag:$0x3], $0x80, s18, s14, $0xb8;
	[tilespmem:$0x1DC00] =	vst v63  }
0x30: {  	_ =	swait.ge [sflag:s12], $0x2800  }
0x31: {  	[sflag:s12] =	ssyncset.done $0x0  }
0x32: {  	s30 =	simm.s32 $0xA0;
	[sflag:s12] =	ssyncadd.s32 $0xFFFFD800  }
0x33: {  	[tilespmem:s15], [sflag:$0x1] =	stream.indirect.gather [hbm4b:s4+s14], $0x80, s30, s14, $0xb8;
	[tilespmem:$0x1DC00] =	vst v63  }
0x34: {  	v63 =	vld [tilespmem:s22+$0x0];
	_ =	sdelay $0x4  }
0x35: {  	[tilespmem:$0x4F80] =	vst v63  }
0x36: {  	v0 =	vld [tilespmem:s22+$0x10];
	_ =	sdelay $0x4  }
0x37: {  	[tilespmem:$0x4F90] =	vst v0  }
0x38: {  	v0 =	vld [tilespmem:s22+$0x20];
	_ =	sdelay $0x4  }
0x39: {  	s31 =	sand.u32 $0x3FE0, s3;
	[tilespmem:$0x4FA0] =	vst v0  }
0x3a: {  	v0 =	vld [tilespmem:s31+$0x2800];
	_ =	sdelay $0x4  }
0x3b: {  	[tilespmem:$0x4FB0] =	vst v0  }
0x3c: {  	v0 =	vld [tilespmem:s22+$0x40];
	_ =	sdelay $0x4  }
0x3d: {  	[tilespmem:$0x4FC0] =	vst v0  }
0x3e: {  	_ =	swait.ge [sflag:s19], $0x2800  }
0x3f: {  	[sflag:s19] =	ssyncset.done $0x0  }
0x40: {  	[sflag:s19] =	ssyncadd.s32 $0xFFFFD800  }
0x41: {  	[spmem:s2] =	stream.indirect.scatter.add.f32 [tilespmem:s16], [sflag:$0x3], $0x80, s20, s14, $0xb8;
	[tilespmem:$0x1DC00] =	vst v63  }
0x42: {  	s25 =	simm.s32 $0x140;
	_ =	swait.ge [sflag:s12], $0x2800  }
0x43: {  	s24 =	simm.s32 $0x140;
	s23 =	simm.s32 $0xA0;
	[sflag:s12] =	ssyncset.done $0x0  }
.LBB2_2:
0x44: {  	s26 =	sadd.s32 $0xFFFFFFB0, s24;
	[sflag:s12] =	ssyncadd.s32 $0xFFFFD800;
	s22 =	sadd.s32 $0xA0, s22  }
0x45: {  	[tilespmem:s16], [sflag:$0x2] =	stream.indirect.gather [hbm4b:s4+s14], $0x80, s26, s14, $0xb8;
	[tilespmem:$0x1DC00] =	vst v63  }
0x46: {  	p0 =	sne.s32 s25, $0x2620;
	s26 =	smov.u32 s25;
	s25 =	sadd.s32 $0xA0, s25;
	v0 =	vld [tilespmem:s22+$0xFFFFFFB0]  }
0x47: {  	_ =	sdelay $0x3  }
0x48: {  	[tilespmem:$0x4F00] =	vst v0  }
0x49: {  	v0 =	vld [tilespmem:s22+$0xFFFFFFC0];
	_ =	sdelay $0x4  }
0x4a: {  	[tilespmem:$0x4F10] =	vst v0  }
0x4b: {  	v0 =	vld [tilespmem:s22+$0xFFFFFFD0];
	_ =	sdelay $0x4  }
0x4c: {  	[tilespmem:$0x4F20] =	vst v0  }
0x4d: {  	v0 =	vld [tilespmem:s22+$0xFFFFFFE0];
	_ =	sdelay $0x4  }
0x4e: {  	[tilespmem:$0x4F30] =	vst v0  }
0x4f: {  	v0 =	vld [tilespmem:s22+$0xFFFFFFF0];
	_ =	sdelay $0x4  }
0x50: {  	[tilespmem:$0x4F40] =	vst v0  }
0x51: {  	_ =	swait.ge [sflag:s17], $0x2800  }
0x52: {  	[sflag:s17] =	ssyncset.done $0x0  }
0x53: {  	[sflag:s17] =	ssyncadd.s32 $0xFFFFD800  }
0x54: {  	[spmem:s2] =	stream.indirect.scatter.add.f32 [tilespmem:s15], [sflag:$0x3], $0x80, s18, s14, $0xb8;
	[tilespmem:$0x1DC00] =	vst v63  }
0x55: {  	_ =	swait.ge [sflag:s12], $0x2800  }
0x56: {  	[sflag:s12] =	ssyncset.done $0x0  }
0x57: {  	[sflag:s12] =	ssyncadd.s32 $0xFFFFD800  }
0x58: {  	[tilespmem:s15], [sflag:$0x1] =	stream.indirect.gather [hbm4b:s4+s14], $0x80, s24, s14, $0xb8;
	[tilespmem:$0x1DC00] =	vst v63  }
0x59: {  	v0 =	vld [tilespmem:s22+$0x0];
	_ =	sdelay $0x4  }
0x5a: {  	[tilespmem:$0x4F80] =	vst v0  }
0x5b: {  	v0 =	vld [tilespmem:s22+$0x10];
	_ =	sdelay $0x4  }
0x5c: {  	[tilespmem:$0x4F90] =	vst v0  }
0x5d: {  	v0 =	vld [tilespmem:s22+$0x20];
	_ =	sdelay $0x4  }
0x5e: {  	s28 =	sand.u32 $0x3FE0, s23;
	s23 =	smov.u32 s26;
	[tilespmem:$0x4FA0] =	vst v0  }
0x5f: {  	v0 =	vld [tilespmem:s28+$0x2800];
	_ =	sdelay $0x4  }
0x60: {  	[tilespmem:$0x4FB0] =	vst v0  }
0x61: {  	v0 =	vld [tilespmem:s22+$0x40];
	_ =	sdelay $0x4  }
0x62: {  	[tilespmem:$0x4FC0] =	vst v0  }
0x63: {  	_ =	swait.ge [sflag:s19], $0x2800  }
.Ltmp0:
0x64: {  	[sflag:s19] =	ssyncset.done $0x0;
	(pc) =	sbr.rel @p0 .LBB2_2-.Ltmp0, $4  }
0x65: {  	[sflag:s19] =	ssyncadd.s32 $0xFFFFD800  }
0x66: {  	[spmem:s2] =	stream.indirect.scatter.add.f32 [tilespmem:s16], [sflag:$0x3], $0x80, s20, s14, $0xb8;
	[tilespmem:$0x1DC00] =	vst v63  }
0x67: {  	_ =	swait.ge [sflag:s12], $0x2800  }
0x68: {  	s24 =	sadd.s32 $0xA0, s24;
	[sflag:s12] =	ssyncset.done $0x0  }
0x69: {  	s25 =	sadd.s32 $0xFFFFFFB0, s24;
	[sflag:s12] =	ssyncadd.s32 $0xFFFFD800;
	s22 =	sadd.s32 $0xA0, s22  }
0x6a: {  	[tilespmem:s16], [sflag:$0x2] =	stream.indirect.gather [hbm4b:s4+s14], $0x80, s25, s14, $0xb8;
	[tilespmem:$0x1DC00] =	vst v63  }
0x6b: {  	v0 =	vld [tilespmem:s22+$0xFFFFFFB0];
	_ =	sdelay $0x4  }
0x6c: {  	[tilespmem:$0x4F00] =	vst v0  }
0x6d: {  	v0 =	vld [tilespmem:s22+$0xFFFFFFC0];
	_ =	sdelay $0x4  }
0x6e: {  	[tilespmem:$0x4F10] =	vst v0  }
0x6f: {  	v0 =	vld [tilespmem:s22+$0xFFFFFFD0];
	_ =	sdelay $0x4  }
0x70: {  	[tilespmem:$0x4F20] =	vst v0  }
0x71: {  	v0 =	vld [tilespmem:s22+$0xFFFFFFE0];
	_ =	sdelay $0x4  }
0x72: {  	[tilespmem:$0x4F30] =	vst v0  }
0x73: {  	v0 =	vld [tilespmem:s22+$0xFFFFFFF0];
	_ =	sdelay $0x4  }
0x74: {  	[tilespmem:$0x4F40] =	vst v0  }
0x75: {  	_ =	swait.ge [sflag:s17], $0x2800  }
0x76: {  	[sflag:s17] =	ssyncset.done $0x0  }
0x77: {  	[sflag:s17] =	ssyncadd.s32 $0xFFFFD800  }
0x78: {  	[spmem:s2] =	stream.indirect.scatter.add.f32 [tilespmem:s15], [sflag:$0x3], $0x80, s18, s14, $0xb8;
	[tilespmem:$0x1DC00] =	vst v63  }
0x79: {  	_ =	swait.ge [sflag:s12], $0x2800  }
0x7a: {  	[sflag:s12] =	ssyncset.done $0x0  }
0x7b: {  	[sflag:s12] =	ssyncadd.s32 $0xFFFFD800  }
0x7c: {  	[tilespmem:s15], [sflag:$0x1] =	stream.indirect.gather [hbm4b:s4+s14], $0x80, s24, s14, $0xb8;
	[tilespmem:$0x1DC00] =	vst v63  }
0x7d: {  	v62 =	vld [tilespmem:s22+$0x0];
	_ =	sdelay $0x4  }
0x7e: {  	[tilespmem:$0x4F80] =	vst v62  }
0x7f: {  	v0 =	vld [tilespmem:s22+$0x10];
	_ =	sdelay $0x4  }
0x80: {  	[tilespmem:$0x4F90] =	vst v0  }
0x81: {  	v0 =	vld [tilespmem:s22+$0x20];
	_ =	sdelay $0x4  }
0x82: {  	s23 =	sand.u32 $0x3FE0, s23;
	[tilespmem:$0x4FA0] =	vst v0  }
0x83: {  	v0 =	vld [tilespmem:s23+$0x2800];
	_ =	sdelay $0x4  }
0x84: {  	[tilespmem:$0x4FB0] =	vst v0  }
0x85: {  	v0 =	vld [tilespmem:s22+$0x40];
	_ =	sdelay $0x4  }
0x86: {  	[tilespmem:$0x4FC0] =	vst v0  }
0x87: {  	_ =	swait.ge [sflag:s19], $0x2800  }
0x88: {  	[sflag:s19] =	ssyncset.done $0x0  }
0x89: {  	[sflag:s19] =	ssyncadd.s32 $0xFFFFD800  }
0x8a: {  	[spmem:s2] =	stream.indirect.scatter.add.f32 [tilespmem:s16], [sflag:$0x3], $0x80, s20, s14, $0xb8;
	[tilespmem:$0x1DC00] =	vst v63  }
0x8b: {  	_ =	swait.ge [sflag:s12], $0x2800  }
0x8c: {  	[sflag:s12] =	ssyncset.done $0x0  }
0x8d: {  	[sflag:s12] =	ssyncadd.s32 $0xFFFFD800  }
0x8e: {  	v63 =	vld [tilespmem:$0x4E40]  }
0x8f: {  	v1 =	vld [tilespmem:$0x4E50]  }
0x90: {  	v2 =	vld [tilespmem:$0x4E60]  }
0x91: {  	v3 =	vld [tilespmem:$0x4E70]  }
0x92: {  	v4 =	vld [tilespmem:$0x4E80]  }
0x93: {  	[tilespmem:$0x4F00] =	vst v63  }
0x94: {  	[tilespmem:$0x4F10] =	vst v1  }
0x95: {  	[tilespmem:$0x4F20] =	vst v2  }
0x96: {  	[tilespmem:$0x4F30] =	vst v3  }
0x97: {  	[tilespmem:$0x4F40] =	vst v4  }
0x98: {  	_ =	swait.ge [sflag:s17], $0x2800  }
0x99: {  	[sflag:s17] =	ssyncset.done $0x0  }
0x9a: {  	[sflag:s17] =	ssyncadd.s32 $0xFFFFD800  }
0x9b: {  	[spmem:s2] =	stream.indirect.scatter.add.f32 [tilespmem:s15], [sflag:$0x3], $0x80, s18, s14, $0xb8;
	[tilespmem:$0x1DC00] =	vst v63  }
0x9c: {  	_ =	swait.ge [sflag:s12], $0x2800  }
0x9d: {  	s21 =	sadd.s32 $0x1, s21;
	[sflag:s12] =	ssyncset.done $0x0  }
0x9e: {  	p0 =	sne.s32 s21, s9;
	[sflag:s12] =	ssyncadd.s32 $0xFFFFD800  }
.Ltmp1:
0x9f: {  	[bflag:$0x0] =	sbarrier.arrive $0xFFFF;
	(pc) =	sbr.rel @p0 .LBB2_1-.Ltmp1, $4  }
0xa0: {  	[hbm:s8], [sflag:s10] =	dma.local [spmem:s11], $0x2780  }
0xa1: {  	_ =	swait.ge [sflag:s12], $0x2780  }
0xa2: {  	[sflag:s12] =	ssyncset.done $0x0  }
0xa3: {  	[sflag:s12] =	ssyncadd.s32 $0xFFFFD880  }
0xa4: {  	_ =	sfence.sel $0x180000  }
0xa5: {  	[bflag:$0x0] =	sbarrier.arrive $0xFFFF  }
0xa6: {  	p0 =	sne.s32 s0, $0x0;
	_ =	strace $0x9000004A  }
0xa7: {  	s0 =	sadd.s32 @!p0 $0x100000, s1;
	[bflag:$0x2] =	sbarrier.arrive $0xFFFF  }
0xa8: {  	[sflag:s0] =	ssyncadd.tile.s32 @!p0 $0x1;
	_ =	shalt  }
.Lfunc_end2:
_tile_overlayer_lowered:
.L_overlay_start_2:
0xa9: {  	(tag) =	ssettag $0x2  }
0xaa: {  	s0 =	rddreg [dreg:$0x0];
	s2 =	stileid.u32  }
0xab: {  	s1 =	rddreg [dreg:$0x1];
	p0 =	sne.s32 s2, $0x0  }
0xac: {  	s3 =	rddreg [dreg:$0x2];
	[bflag:$0x3] =	sbarrier.arrive $0xFFFF;
	s2 =	simm.s32 @!p0 $0x1C03  }
0xad: {  	[timem:s3], [sflag:s2] =	dma.local @!p0 [hbm:s0], s1  }
0xae: {  	s0 =	simm.s32 @!p0 $0x3  }
0xaf: {  	_ =	swait.ge @!p0 [sflag:s0], s1  }
0xb0: {  	s1 =	ssub.s32 @!p0 $0x0, s1;
	[sflag:s0] =	ssyncset.done @!p0 $0x0  }
0xb1: {  	[sflag:s0] =	ssyncadd.s32 @!p0 s1  }
0xb2: {  	[bflag:$0x3] =	sbarrier.arrive $0xFFFF  }
0xb3: {  	_ =	shalt  }

// kernel: kernel.14.cloned.1.call-start
scs
__scs_entry_jumppad:
0x0: {  	(pc) =	sbr.rel $0x88, $3  }
0x1: {  	(tag) =	ssettag $0x0;
	lr =	simm.s32 $0x1  }
0x2: {  	[smem:$0x3F99] =	sst lr;
	_ =	strace $0xD0000000  }
0x3: {  	_ = 	snop  }
0x4: {  	_ = 	snop  }
0x5: {  	_ = 	snop  }
0x6: {  	_ = 	snop  }
0x7: {  	_ = 	snop  }
__scs_overlays_trampoline_lowered:
0x8: {  	[smem:$0x3FA8] =	sst s0  }
0x9: {  	[smem:$0x3FA9] =	sst s1  }
0xa: {  	[smem:$0x3FAA] =	sst s2  }
0xb: {  	[smem:$0x3FAB] =	sst s3  }
0xc: {  	[smem:$0x3FAC] =	sst s4  }
0xd: {  	[smem:$0x3FAD] =	sst s5  }
0xe: {  	[smem:$0x3FAE] =	sst s6  }
0xf: {  	[smem:$0x3FAF] =	sst s7  }
0x10: {  	[smem:$0x3FB0] =	sst s8  }
0x11: {  	[smem:$0x3FB1] =	sst s9;
	s0 =	simm.s32 @!p0 $0x0  }
0x12: {  	s1 =	sld [smem:$0x3F97];
	s0 =	simm.s32 @p0 $0x1  }
0x13: {  	[smem:$0x3FB2] =	sst s0;
	s0 =	simm.s32 @!p1 $0x0  }
0x14: {  	s2 =	sld [smem:$0x3F96];
	s0 =	simm.s32 @p1 $0x1  }
0x15: {  	[smem:$0x3FB3] =	sst s0;
	s0 =	simm.s32 @!p2 $0x0  }
0x16: {  	s3 =	sld [smem:$0x3FDB];
	s0 =	simm.s32 @p2 $0x1  }
0x17: {  	s4 =	simm.s32 $0x1BF5;
	[smem:$0x3FB5] =	sst s0  }
0x18: {  	s0 =	sld [smem:$0x3F98];
	_ =	swait.ge [sflag:s4], $0x0  }
0x19: {  	s7 =	sld [smem:$0x3F99]  }
0x1a: {  	s8 =	sadd.s32 $0xFFFFE003, lr  }
0x1b: {  	s9 =	sadd.s32 $0xFFFFFEF7, lr;
	s5 =	simm.s32 $0xFFFFFFFF;
	p2 =	slt.u32 s8, $0xFFFFF086  }
0x1c: {  	p1 =	slt.u32 s9, $0xF7A;
	s5 =	simm.s32 @!p2 $0x0  }
0x1d: {  	s5 =	simm.s32 @p1 $0x1;
	p0 =	seq.s32 s7, s2  }
0x1e: {  	s7 =	smul.u32 @!p0 $0xF7A, s2;
	p2 =	seq.s32 @!p0 s5, $0x0  }
0x1f: {  	s9 =	smul.u32 $0xF7A, s1;
	s8 =	simm.s32 @!p0 $0x1BF5;
	p2 =	por !p2, p0  }
0x20: {  	[sflag:s8] =	ssyncset.s32 @!p0 $0xFFFFF086;
	s6 =	sadd.s32 @!p0 s3, s7;
	s7 =	simm.s32 @!p0 $0x108  }
0x21: {  	s3 =	sadd.s32 s3, s9;
	s6 =	sadd.s32 @!p0 $0x88, s6;
	s7 =	simm.s32 @p2 $0x1082  }
0x22: {  	[simem:s7], [sflag:s8] =	dma.local @!p0 [hbm:s6], $0xF7A  }
0x23: {  	s9 =	sor.u32 $0xD0000000, s2;
	s6 =	simm.s32 $0x108;
	_ =	swait.ge @!p0 [sflag:s8], $0x0  }
0x24: {  	s3 =	sadd.s32 $0x88, s3;
	s6 =	simm.s32 @!p1 $0x1082;
	[sflag:s4] =	ssyncset.s32 $0xFFFFF086  }
0x25: {  	[simem:s6], [sflag:s4] =	dma.local [hbm:s3], $0xF7A  }
0x26: {  	[smem:$0x3F99] =	sst s1;
	(tag) =	ssettag s2;
	_ =	strace s9  }
0x27: {  	s1 =	sld [smem:$0x3FA9]  }
0x28: {  	s2 =	sld [smem:$0x3FAA]  }
0x29: {  	s4 =	sld [smem:$0x3FAC]  }
0x2a: {  	p0 =	seq.s32 s5, $0x0;
	s5 =	sld [smem:$0x3FAD]  }
0x2b: {  	s6 =	sld [smem:$0x3FAE]  }
0x2c: {  	s7 =	sld [smem:$0x3FAF]  }
0x2d: {  	s3 =	simm.s32 $0x108;
	s8 =	sld [smem:$0x3FB0]  }
0x2e: {  	s3 =	simm.s32 @!p0 $0x1082;
	s9 =	sld [smem:$0x3FB1]  }
0x2f: {  	lr =	sadd.s32 s0, s3;
	s0 =	sld [smem:$0x3FA8]  }
0x30: {  	s3 =	sld [smem:$0x3FAB]  }
0x31: {  	[smem:$0x3FB4] =	sst s10  }
0x32: {  	s10 =	sld [smem:$0x3FB2];
	_ =	sdelay $0x3  }
0x33: {  	p0 =	seq.s32 s10, $0x1;
	s10 =	sld [smem:$0x3FB4];
	_ =	sdelay $0x3  }
0x34: {  	[smem:$0x3FB4] =	sst s10  }
0x35: {  	s10 =	sld [smem:$0x3FB3];
	_ =	sdelay $0x3  }
0x36: {  	p1 =	seq.s32 s10, $0x1;
	s10 =	sld [smem:$0x3FB4];
	_ =	sdelay $0x3  }
0x37: {  	[smem:$0x3FB4] =	sst s10  }
0x38: {  	s10 =	sld [smem:$0x3FB5]  }
0x39: {  	_ = 	snop;
	(pc) =	sbr.ind lr, $3  }
0x3a: {  	_ = 	snop  }
0x3b: {  	_ = 	snop  }
0x3c: {  	p2 =	seq.s32 s10, $0x1;
	s10 =	sld [smem:$0x3FB4]  }
0x3d: {  	_ =	shalt  }
0x3e: {  	_ =	shalt  }
0x3f: {  	_ =	shalt  }
0x40: {  	_ =	shalt  }
0x41: {  	_ =	shalt  }
0x42: {  	_ =	shalt  }
0x43: {  	_ =	shalt  }
0x44: {  	_ =	shalt  }
0x45: {  	_ =	shalt  }
0x46: {  	_ =	shalt  }
0x47: {  	_ =	shalt  }
0x48: {  	_ =	shalt  }
0x49: {  	_ =	shalt  }
0x4a: {  	_ =	shalt  }
0x4b: {  	_ =	shalt  }
0x4c: {  	_ =	shalt  }
0x4d: {  	_ =	shalt  }
0x4e: {  	_ =	shalt  }
0x4f: {  	_ =	shalt  }
0x50: {  	_ =	shalt  }
0x51: {  	_ =	shalt  }
0x52: {  	_ =	shalt  }
0x53: {  	_ =	shalt  }
0x54: {  	_ =	shalt  }
0x55: {  	_ =	shalt  }
0x56: {  	_ =	shalt  }
0x57: {  	_ =	shalt  }
0x58: {  	_ =	shalt  }
0x59: {  	_ =	shalt  }
0x5a: {  	_ =	shalt  }
0x5b: {  	_ =	shalt  }
0x5c: {  	_ =	shalt  }
0x5d: {  	_ =	shalt  }
0x5e: {  	_ =	shalt  }
0x5f: {  	_ =	shalt  }
0x60: {  	_ =	shalt  }
0x61: {  	_ =	shalt  }
0x62: {  	_ =	shalt  }
0x63: {  	_ =	shalt  }
0x64: {  	_ =	shalt  }
0x65: {  	_ =	shalt  }
0x66: {  	_ =	shalt  }
0x67: {  	_ =	shalt  }
0x68: {  	_ =	shalt  }
0x69: {  	_ =	shalt  }
0x6a: {  	_ =	shalt  }
0x6b: {  	_ =	shalt  }
0x6c: {  	_ =	shalt  }
0x6d: {  	_ =	shalt  }
0x6e: {  	_ =	shalt  }
0x6f: {  	_ =	shalt  }
0x70: {  	_ =	shalt  }
0x71: {  	_ =	shalt  }
0x72: {  	_ =	shalt  }
0x73: {  	_ =	shalt  }
0x74: {  	_ =	shalt  }
0x75: {  	_ =	shalt  }
0x76: {  	_ =	shalt  }
0x77: {  	_ =	shalt  }
0x78: {  	_ =	shalt  }
0x79: {  	_ =	shalt  }
0x7a: {  	_ =	shalt  }
0x7b: {  	_ =	shalt  }
0x7c: {  	_ =	shalt  }
0x7d: {  	_ =	shalt  }
0x7e: {  	_ =	shalt  }
0x7f: {  	_ =	shalt  }
0x80: {  	_ =	shalt  }
0x81: {  	_ =	shalt  }
0x82: {  	_ =	shalt  }
0x83: {  	_ =	shalt  }
0x84: {  	_ =	shalt  }
0x85: {  	_ =	shalt  }
0x86: {  	_ =	shalt  }
0x87: {  	_ =	shalt  }
.Lfunc_end0:
.L_simem_size_0:
called_computation.2_lowered:
.L_overlay_start_0:
0x88: {  	s2 =	sld [smem:$0x3FD9]  }
0x89: {  	s3 =	sld [smem:$0x3FFE];
	_ =	sdelay $0x1  }
0x8a: {  	s1 =	srdreg.scid  }
0x8b: {  	s0 =	sand.u32 $0x1, s1  }
0x8c: {  	s17 =	sshll.u32 s0, $0xA;
	s2 =	sadd.s32 s3, s2  }
0x8d: {  	s2 =	sadd.s32 s2, s17  }
0x8e: {  	[smem:$0x3FC0] =	sst s2  }
0x8f: {  	_ = 	snop  }
0x90: {  	s2 =	sld [smem:$0x3FD0];
	(tm) =	ssettm $0x1  }
0x91: {  	s18 =	sld [smem:$0x3FFB];
	_ =	sdelay $0x3  }
0x92: {  	_ =	strace s18  }
0x93: {  	s3 =	sld [smem:$0x3FFC];
	_ =	sdelay $0x3  }
0x94: {  	_ =	strace s3  }
0x95: {  	s3 =	sld [smem:$0x3FFD];
	_ =	sdelay $0x3  }
0x96: {  	_ =	strace s3  }
0x97: {  	_ =	strace $0x8FFFFFFF  }
0x98: {  	s19 =	sld [smem:$0x3FDB];
	_ =	sdelay $0x1  }
0x99: {  	s4 =	simm.s32 $_scs_section_size  }
0x9a: {  	s5 =	simm.s32 $_size__tile_overlayer_lowered;
	s6 =	simm.s32 $_tile_overlayer_lowered  }
0x9b: {  	s22 =	simm.s32 $0x1BFF;
	s21 =	sshll.u32 s6, $0x1;
	s3 =	sadd.s32 s4, s19  }
0x9c: {  	s7 =	simm.s32 $0x0;
	s20 =	sshll.u32 s5, $0x1;
	s5 =	sadd.s32 s21, s3  }
0x9d: {  	[timem:s7], [sflag:s22] =	dma.local [hbm:s5], s20  }
0x9e: {  	_ =	swait.ge [sflag:s22], s20  }
0x9f: {  	s4 =	ssub.s32 $0x0, s20;
	[sflag:s22] =	ssyncset.done $0x0  }
0xa0: {  	[sflag:s22] =	ssyncadd.s32 s4;
	_ =	sdelay $0x1  }
0xa1: {  	s23 =	simm.s32 $0x1B8B  }
0xa2: {  	_ =	swait.ge [sflag:s23], $0x1  }
0xa3: {  	[sflag:s23] =	ssyncset.done $0x0  }
0xa4: {  	s25 =	simm.s32 $0x1B8E;
	s24 =	sld [smem:$0x3FFE];
	[sflag:s23] =	ssyncadd.s32 $0xFFFFFFFF  }
0xa5: {  	s26 =	simm.s32 $execute0_lowered;
	[smem:$0x3FD2] =	sst s25  }
0xa6: {  	s5 =	sshll.u32 s26, $0x1;
	_ =	strace $0x8000004C;
	[dreg:$0x1] =	wrdreg $0xFFFFFFFF  }
0xa7: {  	s28 =	simm.s32 $_size_execute0_lowered;
	s3 =	sadd.s32 s3, s5;
	[dreg:$0x0] =	wrdreg $0x0  }
0xa8: {  	s5 =	sshll.u32 s28, $0x1;
	[dreg:$0x2] =	wrdreg s3  }
0xa9: {  	[dreg:$0x3] =	wrdreg s5  }
0xaa: {  	[dreg:$0x4] =	wrdreg $0xC0  }
0xab: {  	_ =	task [dreg:s7], $0x5FFFF  }
0xac: {  	[dreg:$0x1] =	wrdreg $0xFFFFFFFF  }
0xad: {  	[dreg:$0x0] =	wrdreg $0x60  }
0xae: {  	[dreg:$0x2] =	wrdreg s24  }
0xaf: {  	[dreg:$0x3] =	wrdreg s2  }
0xb0: {  	[dreg:$0x4] =	wrdreg $0xA0000  }
0xb1: {  	[dreg:$0x5] =	wrdreg $0x9  }
0xb2: {  	_ =	task.clear_ibuf [dreg:s7], $0x6FFFF;
	_ =	strace $0x9000004C  }
0xb3: {  	s29 =	simm.s32 $0x9;
	_ =	strace $0x8000004E  }
0xb4: {  	_ =	swait.ge [sflag:s29], $0x1  }
0xb5: {  	[sflag:s29] =	ssyncadd.s32 $0xFFFFFFFF  }
0xb6: {  	_ =	strace $0x9000004E  }
0xb7: {  	_ =	sfence  }
0xb8: {  	s30 =	sld [smem:$0x0];
	_ =	sdelay $0x2  }
0xb9: {  	s31 =	sshll.u32 s1, $0xD;
	s1 =	sshrl.u32 s1, $0x2  }
0xba: {  	s3 =	sand.u32 $0x4000, s31;
	s1 =	sadd.s32 s1, s30  }
0xbb: {  	s0 =	sor.u32 s3, s0;
	s1 =	sshll.u32 s1, $0x11  }
0xbc: {  	s0 =	sor.u32 s1, s0  }
0xbd: {  	s0 =	sadd.s32 $0x8F2B, s0  }
0xbe: {  	[sflag:s0] =	ssyncadd.remote.s32 $0x1  }
0xbf: {  	_ =	sfence.sel $0xFFFF  }
0xc0: {  	[dreg:$0x0] =	wrdreg $0xFFFFFFFF;
	(pc) =	sbr.abs _section_cstart, $3  }
0xc1: {  	[dreg:$0x1] =	wrdreg $0xFFFFFFFF  }
0xc2: {  	_ =	task.clear_ibuf [dreg:s7], $0x2FFFF;
	_ =	strace $0x9FFFFFFF  }
0xc3: {  	(tm) =	ssettm $0x7FFFFFFF  }
tec
execute0_lowered:
.L_overlay_start_1:
0x0: {  	(tag) =	ssettag $0x1  }
0x1: {  	s5 =	rddreg [dreg:$0x0]  }
0x2: {  	s1 =	srdreg.scid;
	s6 =	rddreg [dreg:$0x1]  }
0x3: {  	s0 =	stileid.u32;
	s2 =	rddreg [dreg:$0x2];
	s3 =	simm.s32 $0x0  }
0x4: {  	s16 =	simm.s32 $0x7800;
	s17 =	simm.s32 $0x1;
	s18 =	simm.s32 $0x4F00  }
0x5: {  	s19 =	simm.s32 $0x2;
	s20 =	simm.s32 $0x4F80;
	s21 =	simm.s32 $0x0  }
0x6: {  	s9 =	sand.u32 $0x1, s1;
	s1 =	rddreg [dreg:$0x3];
	s10 =	smul.u32 $0x13C00, s0  }
0x7: {  	s28 =	sshll.u32 s0, $0x1;
	[smem:$0x7FF] =	sst s3;
	s13 =	smul.u32 $0x4F000, s0  }
0x8: {  	s12 =	sadd.s32 $0x33400, s5;
	s15 =	smul.u32 $0x2780, s0;
	s31 =	sshll.u32 s0, $0x6  }
0x9: {  	s4 =	sor.u32 s9, s28;
	s8 =	smul.u32 $0x13C000, s9;
	_ =	strace $0x8000004D  }
0xa: {  	s29 =	ssub.s32 $0x2, s9;
	p0 =	sne.s32 s9, $0x0;
	s7 =	smul.u32 $0x4E2, s4  }
0xb: {  	s4 =	sadd.s32 $0xBC00, s5;
	s14 =	sshrl.u32 s29, $0x1;
	s30 =	sshrl.u32 s13, $0x2  }
0xc: {  	s8 =	sadd.s32 s10, s8;
	s10 =	ssub.s32 s29, s14;
	s13 =	sadd.s32 s30, s2  }
0xd: {  	s14 =	simm.s32 $0x50;
	s11 =	sadd.s32 s7, s5;
	s8 =	sshrl.u32 s8, $0x3  }
0xe: {  	s6 =	sadd.s32 s6, s7;
	s9 =	smax.u32 s10, $0x1;
	s10 =	sor.u32 $0x1C03, s31  }
0xf: {  	s8 =	sadd.s32 s8, s5;
	s5 =	sadd.s32 s4, s15;
	s7 =	sadd.s32 $0x1E00, s11  }
0x10: {  	s11 =	sshrl.u32 s13, $0x3;
	s13 =	simm.s32 $0x2780;
	s15 =	simm.s32 $0x5000  }
0x11: {  	s8 =	sadd.s32 $0x35C00, s8;
	s5 =	smov.u32 @p0 s12;
	s12 =	simm.s32 $0x3  }
.LBB2_1:
0x12: {  	[spmem:s11], [sflag:s10] =	dma.local [hbm:s5], $0x2780  }
0x13: {  	_ =	swait.ge [sflag:s12], $0x2780  }
0x14: {  	[sflag:s12] =	ssyncset.done $0x0  }
0x15: {  	[sflag:s12] =	ssyncadd.s32 $0xFFFFD880  }
0x16: {  	[tilespmem:s3], [sflag:$0x3] =	stream.linear.gather [hbm4b:s6+s3], $0x2710, $0x38;
	[tilespmem:$0x1DC00] =	vst v63  }
0x17: {  	_ =	swait.ge [sflag:s12], $0x2710  }
0x18: {  	[sflag:s12] =	ssyncset.done $0x0  }
0x19: {  	[sflag:s12] =	ssyncadd.s32 $0xFFFFD8F0  }
0x1a: {  	[tilespmem:s13], [sflag:$0x3] =	stream.linear.gather [hbm4b:s7+s3], $0x2710, $0x38;
	[tilespmem:$0x1DC00] =	vst v63  }
0x1b: {  	_ =	swait.ge [sflag:s12], $0x2710  }
0x1c: {  	[sflag:s12] =	ssyncset.done $0x0  }
0x1d: {  	[sflag:s12] =	ssyncadd.s32 $0xFFFFD8F0  }
0x1e: {  	[bflag:$0x0] =	sbarrier.arrive $0xFFFF  }
0x1f: {  	[tilespmem:s15], [sflag:$0x1] =	stream.indirect.gather [hbm4b:s4+s14], $0x80, s3, s14, $0xb8;
	[tilespmem:$0x1DC00] =	vst v63  }
0x20: {  	s22 =	simm.s32 $0x27D0;
	s23 =	simm.s32 $0x50  }
0x21: {  	[tilespmem:s16], [sflag:$0x2] =	stream.indirect.gather [hbm4b:s4+s14], $0x80, s23, s14, $0xb8;
	[tilespmem:$0x1DC00] =	vst v63  }
0x22: {  	v0 =	vld [tilespmem:s22+$0xFFFFFFB0];
	_ =	sdelay $0x4  }
0x23: {  	[tilespmem:$0x4F00] =	vst v0  }
0x24: {  	v0 =	vld [tilespmem:s22+$0xFFFFFFC0];
	_ =	sdelay $0x4  }
0x25: {  	[tilespmem:$0x4F10] =	vst v0  }
0x26: {  	v0 =	vld [tilespmem:s22+$0xFFFFFFD0];
	_ =	sdelay $0x4  }
0x27: {  	[tilespmem:$0x4F20] =	vst v0  }
0x28: {  	v0 =	vld [tilespmem:s22+$0xFFFFFFE0];
	_ =	sdelay $0x4  }
0x29: {  	[tilespmem:$0x4F30] =	vst v0  }
0x2a: {  	v0 =	vld [tilespmem:s22+$0xFFFFFFF0];
	_ =	sdelay $0x4  }
0x2b: {  	[tilespmem:$0x4F40] =	vst v0  }
0x2c: {  	_ =	swait.ge [sflag:s17], $0x2800  }
0x2d: {  	[sflag:s17] =	ssyncset.done $0x0  }
0x2e: {  	[sflag:s17] =	ssyncadd.s32 $0xFFFFD800  }
0x2f: {  	[spmem:s2] =	stream.indirect.scatter.add.f32 [tilespmem:s15], [sflag:$0x3], $0x80, s18, s14, $0xb8;
	[tilespmem:$0x1DC00] =	vst v63  }
0x30: {  	_ =	swait.ge [sflag:s12], $0x2800  }
0x31: {  	[sflag:s12] =	ssyncset.done $0x0  }
0x32: {  	s30 =	simm.s32 $0xA0;
	[sflag:s12] =	ssyncadd.s32 $0xFFFFD800  }
0x33: {  	[tilespmem:s15], [sflag:$0x1] =	stream.indirect.gather [hbm4b:s4+s14], $0x80, s30, s14, $0xb8;
	[tilespmem:$0x1DC00] =	vst v63  }
0x34: {  	v63 =	vld [tilespmem:s22+$0x0];
	_ =	sdelay $0x4  }
0x35: {  	[tilespmem:$0x4F80] =	vst v63  }
0x36: {  	v0 =	vld [tilespmem:s22+$0x10];
	_ =	sdelay $0x4  }
0x37: {  	[tilespmem:$0x4F90] =	vst v0  }
0x38: {  	v0 =	vld [tilespmem:s22+$0x20];
	_ =	sdelay $0x4  }
0x39: {  	s31 =	sand.u32 $0x3FE0, s3;
	[tilespmem:$0x4FA0] =	vst v0  }
0x3a: {  	v0 =	vld [tilespmem:s31+$0x2800];
	_ =	sdelay $0x4  }
0x3b: {  	[tilespmem:$0x4FB0] =	vst v0  }
0x3c: {  	v0 =	vld [tilespmem:s22+$0x40];
	_ =	sdelay $0x4  }
0x3d: {  	[tilespmem:$0x4FC0] =	vst v0  }
0x3e: {  	_ =	swait.ge [sflag:s19], $0x2800  }
0x3f: {  	[sflag:s19] =	ssyncset.done $0x0  }
0x40: {  	[sflag:s19] =	ssyncadd.s32 $0xFFFFD800  }
0x41: {  	[spmem:s2] =	stream.indirect.scatter.add.f32 [tilespmem:s16], [sflag:$0x3], $0x80, s20, s14, $0xb8;
	[tilespmem:$0x1DC00] =	vst v63  }
0x42: {  	s25 =	simm.s32 $0x140;
	_ =	swait.ge [sflag:s12], $0x2800  }
0x43: {  	s24 =	simm.s32 $0x140;
	s23 =	simm.s32 $0xA0;
	[sflag:s12] =	ssyncset.done $0x0  }
.LBB2_2:
0x44: {  	s26 =	sadd.s32 $0xFFFFFFB0, s24;
	[sflag:s12] =	ssyncadd.s32 $0xFFFFD800;
	s22 =	sadd.s32 $0xA0, s22  }
0x45: {  	[tilespmem:s16], [sflag:$0x2] =	stream.indirect.gather [hbm4b:s4+s14], $0x80, s26, s14, $0xb8;
	[tilespmem:$0x1DC00] =	vst v63  }
0x46: {  	p0 =	sne.s32 s25, $0x2620;
	s26 =	smov.u32 s25;
	s25 =	sadd.s32 $0xA0, s25;
	v0 =	vld [tilespmem:s22+$0xFFFFFFB0]  }
0x47: {  	_ =	sdelay $0x3  }
0x48: {  	[tilespmem:$0x4F00] =	vst v0  }
0x49: {  	v0 =	vld [tilespmem:s22+$0xFFFFFFC0];
	_ =	sdelay $0x4  }
0x4a: {  	[tilespmem:$0x4F10] =	vst v0  }
0x4b: {  	v0 =	vld [tilespmem:s22+$0xFFFFFFD0];
	_ =	sdelay $0x4  }
0x4c: {  	[tilespmem:$0x4F20] =	vst v0  }
0x4d: {  	v0 =	vld [tilespmem:s22+$0xFFFFFFE0];
	_ =	sdelay $0x4  }
0x4e: {  	[tilespmem:$0x4F30] =	vst v0  }
0x4f: {  	v0 =	vld [tilespmem:s22+$0xFFFFFFF0];
	_ =	sdelay $0x4  }
0x50: {  	[tilespmem:$0x4F40] =	vst v0  }
0x51: {  	_ =	swait.ge [sflag:s17], $0x2800  }
0x52: {  	[sflag:s17] =	ssyncset.done $0x0  }
0x53: {  	[sflag:s17] =	ssyncadd.s32 $0xFFFFD800  }
0x54: {  	[spmem:s2] =	stream.indirect.scatter.add.f32 [tilespmem:s15], [sflag:$0x3], $0x80, s18, s14, $0xb8;
	[tilespmem:$0x1DC00] =	vst v63  }
0x55: {  	_ =	swait.ge [sflag:s12], $0x2800  }
0x56: {  	[sflag:s12] =	ssyncset.done $0x0  }
0x57: {  	[sflag:s12] =	ssyncadd.s32 $0xFFFFD800  }
0x58: {  	[tilespmem:s15], [sflag:$0x1] =	stream.indirect.gather [hbm4b:s4+s14], $0x80, s24, s14, $0xb8;
	[tilespmem:$0x1DC00] =	vst v63  }
0x59: {  	v0 =	vld [tilespmem:s22+$0x0];
	_ =	sdelay $0x4  }
0x5a: {  	[tilespmem:$0x4F80] =	vst v0  }
0x5b: {  	v0 =	vld [tilespmem:s22+$0x10];
	_ =	sdelay $0x4  }
0x5c: {  	[tilespmem:$0x4F90] =	vst v0  }
0x5d: {  	v0 =	vld [tilespmem:s22+$0x20];
	_ =	sdelay $0x4  }
0x5e: {  	s28 =	sand.u32 $0x3FE0, s23;
	s23 =	smov.u32 s26;
	[tilespmem:$0x4FA0] =	vst v0  }
0x5f: {  	v0 =	vld [tilespmem:s28+$0x2800];
	_ =	sdelay $0x4  }
0x60: {  	[tilespmem:$0x4FB0] =	vst v0  }
0x61: {  	v0 =	vld [tilespmem:s22+$0x40];
	_ =	sdelay $0x4  }
0x62: {  	[tilespmem:$0x4FC0] =	vst v0  }
0x63: {  	_ =	swait.ge [sflag:s19], $0x2800  }
.Ltmp0:
0x64: {  	[sflag:s19] =	ssyncset.done $0x0;
	(pc) =	sbr.rel @p0 .LBB2_2-.Ltmp0, $4  }
0x65: {  	[sflag:s19] =	ssyncadd.s32 $0xFFFFD800  }
0x66: {  	[spmem:s2] =	stream.indirect.scatter.add.f32 [tilespmem:s16], [sflag:$0x3], $0x80, s20, s14, $0xb8;
	[tilespmem:$0x1DC00] =	vst v63  }
0x67: {  	_ =	swait.ge [sflag:s12], $0x2800  }
0x68: {  	s24 =	sadd.s32 $0xA0, s24;
	[sflag:s12] =	ssyncset.done $0x0  }
0x69: {  	s25 =	sadd.s32 $0xFFFFFFB0, s24;
	[sflag:s12] =	ssyncadd.s32 $0xFFFFD800;
	s22 =	sadd.s32 $0xA0, s22  }
0x6a: {  	[tilespmem:s16], [sflag:$0x2] =	stream.indirect.gather [hbm4b:s4+s14], $0x80, s25, s14, $0xb8;
	[tilespmem:$0x1DC00] =	vst v63  }
0x6b: {  	v0 =	vld [tilespmem:s22+$0xFFFFFFB0];
	_ =	sdelay $0x4  }
0x6c: {  	[tilespmem:$0x4F00] =	vst v0  }
0x6d: {  	v0 =	vld [tilespmem:s22+$0xFFFFFFC0];
	_ =	sdelay $0x4  }
0x6e: {  	[tilespmem:$0x4F10] =	vst v0  }
0x6f: {  	v0 =	vld [tilespmem:s22+$0xFFFFFFD0];
	_ =	sdelay $0x4  }
0x70: {  	[tilespmem:$0x4F20] =	vst v0  }
0x71: {  	v0 =	vld [tilespmem:s22+$0xFFFFFFE0];
	_ =	sdelay $0x4  }
0x72: {  	[tilespmem:$0x4F30] =	vst v0  }
0x73: {  	v0 =	vld [tilespmem:s22+$0xFFFFFFF0];
	_ =	sdelay $0x4  }
0x74: {  	[tilespmem:$0x4F40] =	vst v0  }
0x75: {  	_ =	swait.ge [sflag:s17], $0x2800  }
0x76: {  	[sflag:s17] =	ssyncset.done $0x0  }
0x77: {  	[sflag:s17] =	ssyncadd.s32 $0xFFFFD800  }
0x78: {  	[spmem:s2] =	stream.indirect.scatter.add.f32 [tilespmem:s15], [sflag:$0x3], $0x80, s18, s14, $0xb8;
	[tilespmem:$0x1DC00] =	vst v63  }
0x79: {  	_ =	swait.ge [sflag:s12], $0x2800  }
0x7a: {  	[sflag:s12] =	ssyncset.done $0x0  }
0x7b: {  	[sflag:s12] =	ssyncadd.s32 $0xFFFFD800  }
0x7c: {  	[tilespmem:s15], [sflag:$0x1] =	stream.indirect.gather [hbm4b:s4+s14], $0x80, s24, s14, $0xb8;
	[tilespmem:$0x1DC00] =	vst v63  }
0x7d: {  	v62 =	vld [tilespmem:s22+$0x0];
	_ =	sdelay $0x4  }
0x7e: {  	[tilespmem:$0x4F80] =	vst v62  }
0x7f: {  	v0 =	vld [tilespmem:s22+$0x10];
	_ =	sdelay $0x4  }
0x80: {  	[tilespmem:$0x4F90] =	vst v0  }
0x81: {  	v0 =	vld [tilespmem:s22+$0x20];
	_ =	sdelay $0x4  }
0x82: {  	s23 =	sand.u32 $0x3FE0, s23;
	[tilespmem:$0x4FA0] =	vst v0  }
0x83: {  	v0 =	vld [tilespmem:s23+$0x2800];
	_ =	sdelay $0x4  }
0x84: {  	[tilespmem:$0x4FB0] =	vst v0  }
0x85: {  	v0 =	vld [tilespmem:s22+$0x40];
	_ =	sdelay $0x4  }
0x86: {  	[tilespmem:$0x4FC0] =	vst v0  }
0x87: {  	_ =	swait.ge [sflag:s19], $0x2800  }
0x88: {  	[sflag:s19] =	ssyncset.done $0x0  }
0x89: {  	[sflag:s19] =	ssyncadd.s32 $0xFFFFD800  }
0x8a: {  	[spmem:s2] =	stream.indirect.scatter.add.f32 [tilespmem:s16], [sflag:$0x3], $0x80, s20, s14, $0xb8;
	[tilespmem:$0x1DC00] =	vst v63  }
0x8b: {  	_ =	swait.ge [sflag:s12], $0x2800  }
0x8c: {  	[sflag:s12] =	ssyncset.done $0x0  }
0x8d: {  	[sflag:s12] =	ssyncadd.s32 $0xFFFFD800  }
0x8e: {  	v63 =	vld [tilespmem:$0x4E40]  }
0x8f: {  	v1 =	vld [tilespmem:$0x4E50]  }
0x90: {  	v2 =	vld [tilespmem:$0x4E60]  }
0x91: {  	v3 =	vld [tilespmem:$0x4E70]  }
0x92: {  	v4 =	vld [tilespmem:$0x4E80]  }
0x93: {  	[tilespmem:$0x4F00] =	vst v63  }
0x94: {  	[tilespmem:$0x4F10] =	vst v1  }
0x95: {  	[tilespmem:$0x4F20] =	vst v2  }
0x96: {  	[tilespmem:$0x4F30] =	vst v3  }
0x97: {  	[tilespmem:$0x4F40] =	vst v4  }
0x98: {  	_ =	swait.ge [sflag:s17], $0x2800  }
0x99: {  	[sflag:s17] =	ssyncset.done $0x0  }
0x9a: {  	[sflag:s17] =	ssyncadd.s32 $0xFFFFD800  }
0x9b: {  	[spmem:s2] =	stream.indirect.scatter.add.f32 [tilespmem:s15], [sflag:$0x3], $0x80, s18, s14, $0xb8;
	[tilespmem:$0x1DC00] =	vst v63  }
0x9c: {  	_ =	swait.ge [sflag:s12], $0x2800  }
0x9d: {  	s21 =	sadd.s32 $0x1, s21;
	[sflag:s12] =	ssyncset.done $0x0  }
0x9e: {  	p0 =	sne.s32 s21, s9;
	[sflag:s12] =	ssyncadd.s32 $0xFFFFD800  }
.Ltmp1:
0x9f: {  	[bflag:$0x0] =	sbarrier.arrive $0xFFFF;
	(pc) =	sbr.rel @p0 .LBB2_1-.Ltmp1, $4  }
0xa0: {  	[hbm:s8], [sflag:s10] =	dma.local [spmem:s11], $0x2780  }
0xa1: {  	_ =	swait.ge [sflag:s12], $0x2780  }
0xa2: {  	[sflag:s12] =	ssyncset.done $0x0  }
0xa3: {  	[sflag:s12] =	ssyncadd.s32 $0xFFFFD880  }
0xa4: {  	_ =	sfence.sel $0x180000  }
0xa5: {  	[bflag:$0x0] =	sbarrier.arrive $0xFFFF  }
0xa6: {  	p0 =	sne.s32 s0, $0x0;
	_ =	strace $0x9000004D  }
0xa7: {  	s0 =	sadd.s32 @!p0 $0x100000, s1;
	[bflag:$0x2] =	sbarrier.arrive $0xFFFF  }
0xa8: {  	[sflag:s0] =	ssyncadd.tile.s32 @!p0 $0x1;
	_ =	shalt  }
.Lfunc_end2:
_tile_overlayer_lowered:
.L_overlay_start_2:
0xa9: {  	(tag) =	ssettag $0x2  }
0xaa: {  	s0 =	rddreg [dreg:$0x0];
	s2 =	stileid.u32  }
0xab: {  	s1 =	rddreg [dreg:$0x1];
	p0 =	sne.s32 s2, $0x0  }
0xac: {  	s3 =	rddreg [dreg:$0x2];
	[bflag:$0x3] =	sbarrier.arrive $0xFFFF;
	s2 =	simm.s32 @!p0 $0x1C03  }
0xad: {  	[timem:s3], [sflag:s2] =	dma.local @!p0 [hbm:s0], s1  }
0xae: {  	s0 =	simm.s32 @!p0 $0x3  }
0xaf: {  	_ =	swait.ge @!p0 [sflag:s0], s1  }
0xb0: {  	s1 =	ssub.s32 @!p0 $0x0, s1;
	[sflag:s0] =	ssyncset.done @!p0 $0x0  }
0xb1: {  	[sflag:s0] =	ssyncadd.s32 @!p0 s1  }
0xb2: {  	[bflag:$0x3] =	sbarrier.arrive $0xFFFF  }
0xb3: {  	_ =	shalt  }

// kernel: kernel.8.cloned.1.call-start
scs
__scs_entry_jumppad:
0x0: {  	(pc) =	sbr.rel $0x88, $3  }
0x1: {  	(tag) =	ssettag $0x0;
	lr =	simm.s32 $0x1  }
0x2: {  	[smem:$0x3F99] =	sst lr;
	_ =	strace $0xD0000000  }
0x3: {  	_ = 	snop  }
0x4: {  	_ = 	snop  }
0x5: {  	_ = 	snop  }
0x6: {  	_ = 	snop  }
0x7: {  	_ = 	snop  }
__scs_overlays_trampoline_lowered:
0x8: {  	[smem:$0x3FA8] =	sst s0  }
0x9: {  	[smem:$0x3FA9] =	sst s1  }
0xa: {  	[smem:$0x3FAA] =	sst s2  }
0xb: {  	[smem:$0x3FAB] =	sst s3  }
0xc: {  	[smem:$0x3FAC] =	sst s4  }
0xd: {  	[smem:$0x3FAD] =	sst s5  }
0xe: {  	[smem:$0x3FAE] =	sst s6  }
0xf: {  	[smem:$0x3FAF] =	sst s7  }
0x10: {  	[smem:$0x3FB0] =	sst s8  }
0x11: {  	[smem:$0x3FB1] =	sst s9;
	s0 =	simm.s32 @!p0 $0x0  }
0x12: {  	s1 =	sld [smem:$0x3F97];
	s0 =	simm.s32 @p0 $0x1  }
0x13: {  	[smem:$0x3FB2] =	sst s0;
	s0 =	simm.s32 @!p1 $0x0  }
0x14: {  	s2 =	sld [smem:$0x3F96];
	s0 =	simm.s32 @p1 $0x1  }
0x15: {  	[smem:$0x3FB3] =	sst s0;
	s0 =	simm.s32 @!p2 $0x0  }
0x16: {  	s3 =	sld [smem:$0x3FDB];
	s0 =	simm.s32 @p2 $0x1  }
0x17: {  	s4 =	simm.s32 $0x1BF5;
	[smem:$0x3FB5] =	sst s0  }
0x18: {  	s0 =	sld [smem:$0x3F98];
	_ =	swait.ge [sflag:s4], $0x0  }
0x19: {  	s7 =	sld [smem:$0x3F99]  }
0x1a: {  	s8 =	sadd.s32 $0xFFFFE003, lr  }
0x1b: {  	s9 =	sadd.s32 $0xFFFFFEF7, lr;
	s5 =	simm.s32 $0xFFFFFFFF;
	p2 =	slt.u32 s8, $0xFFFFF086  }
0x1c: {  	p1 =	slt.u32 s9, $0xF7A;
	s5 =	simm.s32 @!p2 $0x0  }
0x1d: {  	s5 =	simm.s32 @p1 $0x1;
	p0 =	seq.s32 s7, s2  }
0x1e: {  	s7 =	smul.u32 @!p0 $0xF7A, s2;
	p2 =	seq.s32 @!p0 s5, $0x0  }
0x1f: {  	s9 =	smul.u32 $0xF7A, s1;
	s8 =	simm.s32 @!p0 $0x1BF5;
	p2 =	por !p2, p0  }
0x20: {  	[sflag:s8] =	ssyncset.s32 @!p0 $0xFFFFF086;
	s6 =	sadd.s32 @!p0 s3, s7;
	s7 =	simm.s32 @!p0 $0x108  }
0x21: {  	s3 =	sadd.s32 s3, s9;
	s6 =	sadd.s32 @!p0 $0x88, s6;
	s7 =	simm.s32 @p2 $0x1082  }
0x22: {  	[simem:s7], [sflag:s8] =	dma.local @!p0 [hbm:s6], $0xF7A  }
0x23: {  	s9 =	sor.u32 $0xD0000000, s2;
	s6 =	simm.s32 $0x108;
	_ =	swait.ge @!p0 [sflag:s8], $0x0  }
0x24: {  	s3 =	sadd.s32 $0x88, s3;
	s6 =	simm.s32 @!p1 $0x1082;
	[sflag:s4] =	ssyncset.s32 $0xFFFFF086  }
0x25: {  	[simem:s6], [sflag:s4] =	dma.local [hbm:s3], $0xF7A  }
0x26: {  	[smem:$0x3F99] =	sst s1;
	(tag) =	ssettag s2;
	_ =	strace s9  }
0x27: {  	s1 =	sld [smem:$0x3FA9]  }
0x28: {  	s2 =	sld [smem:$0x3FAA]  }
0x29: {  	s4 =	sld [smem:$0x3FAC]  }
0x2a: {  	p0 =	seq.s32 s5, $0x0;
	s5 =	sld [smem:$0x3FAD]  }
0x2b: {  	s6 =	sld [smem:$0x3FAE]  }
0x2c: {  	s7 =	sld [smem:$0x3FAF]  }
0x2d: {  	s3 =	simm.s32 $0x108;
	s8 =	sld [smem:$0x3FB0]  }
0x2e: {  	s3 =	simm.s32 @!p0 $0x1082;
	s9 =	sld [smem:$0x3FB1]  }
0x2f: {  	lr =	sadd.s32 s0, s3;
	s0 =	sld [smem:$0x3FA8]  }
0x30: {  	s3 =	sld [smem:$0x3FAB]  }
0x31: {  	[smem:$0x3FB4] =	sst s10  }
0x32: {  	s10 =	sld [smem:$0x3FB2];
	_ =	sdelay $0x3  }
0x33: {  	p0 =	seq.s32 s10, $0x1;
	s10 =	sld [smem:$0x3FB4];
	_ =	sdelay $0x3  }
0x34: {  	[smem:$0x3FB4] =	sst s10  }
0x35: {  	s10 =	sld [smem:$0x3FB3];
	_ =	sdelay $0x3  }
0x36: {  	p1 =	seq.s32 s10, $0x1;
	s10 =	sld [smem:$0x3FB4];
	_ =	sdelay $0x3  }
0x37: {  	[smem:$0x3FB4] =	sst s10  }
0x38: {  	s10 =	sld [smem:$0x3FB5]  }
0x39: {  	_ = 	snop;
	(pc) =	sbr.ind lr, $3  }
0x3a: {  	_ = 	snop  }
0x3b: {  	_ = 	snop  }
0x3c: {  	p2 =	seq.s32 s10, $0x1;
	s10 =	sld [smem:$0x3FB4]  }
0x3d: {  	_ =	shalt  }
0x3e: {  	_ =	shalt  }
0x3f: {  	_ =	shalt  }
0x40: {  	_ =	shalt  }
0x41: {  	_ =	shalt  }
0x42: {  	_ =	shalt  }
0x43: {  	_ =	shalt  }
0x44: {  	_ =	shalt  }
0x45: {  	_ =	shalt  }
0x46: {  	_ =	shalt  }
0x47: {  	_ =	shalt  }
0x48: {  	_ =	shalt  }
0x49: {  	_ =	shalt  }
0x4a: {  	_ =	shalt  }
0x4b: {  	_ =	shalt  }
0x4c: {  	_ =	shalt  }
0x4d: {  	_ =	shalt  }
0x4e: {  	_ =	shalt  }
0x4f: {  	_ =	shalt  }
0x50: {  	_ =	shalt  }
0x51: {  	_ =	shalt  }
0x52: {  	_ =	shalt  }
0x53: {  	_ =	shalt  }
0x54: {  	_ =	shalt  }
0x55: {  	_ =	shalt  }
0x56: {  	_ =	shalt  }
0x57: {  	_ =	shalt  }
0x58: {  	_ =	shalt  }
0x59: {  	_ =	shalt  }
0x5a: {  	_ =	shalt  }
0x5b: {  	_ =	shalt  }
0x5c: {  	_ =	shalt  }
0x5d: {  	_ =	shalt  }
0x5e: {  	_ =	shalt  }
0x5f: {  	_ =	shalt  }
0x60: {  	_ =	shalt  }
0x61: {  	_ =	shalt  }
0x62: {  	_ =	shalt  }
0x63: {  	_ =	shalt  }
0x64: {  	_ =	shalt  }
0x65: {  	_ =	shalt  }
0x66: {  	_ =	shalt  }
0x67: {  	_ =	shalt  }
0x68: {  	_ =	shalt  }
0x69: {  	_ =	shalt  }
0x6a: {  	_ =	shalt  }
0x6b: {  	_ =	shalt  }
0x6c: {  	_ =	shalt  }
0x6d: {  	_ =	shalt  }
0x6e: {  	_ =	shalt  }
0x6f: {  	_ =	shalt  }
0x70: {  	_ =	shalt  }
0x71: {  	_ =	shalt  }
0x72: {  	_ =	shalt  }
0x73: {  	_ =	shalt  }
0x74: {  	_ =	shalt  }
0x75: {  	_ =	shalt  }
0x76: {  	_ =	shalt  }
0x77: {  	_ =	shalt  }
0x78: {  	_ =	shalt  }
0x79: {  	_ =	shalt  }
0x7a: {  	_ =	shalt  }
0x7b: {  	_ =	shalt  }
0x7c: {  	_ =	shalt  }
0x7d: {  	_ =	shalt  }
0x7e: {  	_ =	shalt  }
0x7f: {  	_ =	shalt  }
0x80: {  	_ =	shalt  }
0x81: {  	_ =	shalt  }
0x82: {  	_ =	shalt  }
0x83: {  	_ =	shalt  }
0x84: {  	_ =	shalt  }
0x85: {  	_ =	shalt  }
0x86: {  	_ =	shalt  }
0x87: {  	_ =	shalt  }
.Lfunc_end0:
.L_simem_size_0:
called_computation_lowered:
.L_overlay_start_0:
0x88: {  	s2 =	sld [smem:$0x3FD9]  }
0x89: {  	s3 =	sld [smem:$0x3FFE];
	_ =	sdelay $0x1  }
0x8a: {  	s1 =	srdreg.scid  }
0x8b: {  	s0 =	sand.u32 $0x1, s1  }
0x8c: {  	s16 =	sshll.u32 s0, $0xA;
	s2 =	sadd.s32 s3, s2  }
0x8d: {  	s2 =	sadd.s32 s2, s16  }
0x8e: {  	[smem:$0x3FC0] =	sst s2  }
0x8f: {  	_ = 	snop  }
0x90: {  	(tm) =	ssettm $0x1  }
0x91: {  	s17 =	sld [smem:$0x3FFB];
	_ =	sdelay $0x3  }
0x92: {  	_ =	strace s17  }
0x93: {  	s2 =	sld [smem:$0x3FFC];
	_ =	sdelay $0x3  }
0x94: {  	_ =	strace s2  }
0x95: {  	s2 =	sld [smem:$0x3FFD];
	_ =	sdelay $0x3  }
0x96: {  	_ =	strace s2  }
0x97: {  	_ =	strace $0x8FFFFFFF  }
0x98: {  	s18 =	sld [smem:$0x3FDB];
	_ =	sdelay $0x1  }
0x99: {  	s19 =	simm.s32 $_scs_section_size  }
0x9a: {  	s4 =	simm.s32 $_size__tile_overlayer_lowered;
	s5 =	simm.s32 $_tile_overlayer_lowered  }
0x9b: {  	s22 =	simm.s32 $0x1BFF;
	s21 =	sshll.u32 s5, $0x1;
	s2 =	sadd.s32 s19, s18  }
0x9c: {  	s6 =	simm.s32 $0x0;
	s20 =	sshll.u32 s4, $0x1;
	s4 =	sadd.s32 s21, s2  }
0x9d: {  	[timem:s6], [sflag:s22] =	dma.local [hbm:s4], s20  }
0x9e: {  	_ =	swait.ge [sflag:s22], s20  }
0x9f: {  	s3 =	ssub.s32 $0x0, s20;
	[sflag:s22] =	ssyncset.done $0x0  }
0xa0: {  	[sflag:s22] =	ssyncadd.s32 s3;
	_ =	sdelay $0x1  }
0xa1: {  	s23 =	simm.s32 $0x1B8B  }
0xa2: {  	_ =	swait.ge [sflag:s23], $0x1  }
0xa3: {  	[sflag:s23] =	ssyncset.done $0x0  }
0xa4: {  	s25 =	simm.s32 $0x1B8E;
	s24 =	sld [smem:$0x3FFE];
	[sflag:s23] =	ssyncadd.s32 $0xFFFFFFFF  }
0xa5: {  	s26 =	simm.s32 $execute0_lowered;
	[smem:$0x3FD2] =	sst s25  }
0xa6: {  	s4 =	sshll.u32 s26, $0x1;
	_ =	strace $0x80000046;
	[dreg:$0x1] =	wrdreg $0xFFFFFFFF  }
0xa7: {  	s28 =	simm.s32 $_size_execute0_lowered;
	s2 =	sadd.s32 s2, s4;
	[dreg:$0x0] =	wrdreg $0x0  }
0xa8: {  	s4 =	sshll.u32 s28, $0x1;
	[dreg:$0x2] =	wrdreg s2  }
0xa9: {  	[dreg:$0x3] =	wrdreg s4  }
0xaa: {  	[dreg:$0x4] =	wrdreg $0xC0  }
0xab: {  	_ =	task [dreg:s6], $0x5FFFF  }
0xac: {  	[dreg:$0x1] =	wrdreg $0xFFFFFFFF  }
0xad: {  	[dreg:$0x0] =	wrdreg $0x60  }
0xae: {  	[dreg:$0x2] =	wrdreg s24  }
0xaf: {  	[dreg:$0x3] =	wrdreg $0x53800  }
0xb0: {  	[dreg:$0x4] =	wrdreg $0x9  }
0xb1: {  	_ =	task.clear_ibuf [dreg:s6], $0x5FFFF;
	_ =	strace $0x90000046  }
0xb2: {  	s29 =	simm.s32 $0x9;
	_ =	strace $0x80000048  }
0xb3: {  	_ =	swait.ge [sflag:s29], $0x1  }
0xb4: {  	[sflag:s29] =	ssyncadd.s32 $0xFFFFFFFF  }
0xb5: {  	_ =	strace $0x90000048  }
0xb6: {  	_ =	sfence  }
0xb7: {  	s30 =	sld [smem:$0x0];
	_ =	sdelay $0x2  }
0xb8: {  	s31 =	sshll.u32 s1, $0xD;
	s1 =	sshrl.u32 s1, $0x2  }
0xb9: {  	s3 =	sand.u32 $0x4000, s31;
	s1 =	sadd.s32 s1, s30  }
0xba: {  	s0 =	sor.u32 s3, s0;
	s1 =	sshll.u32 s1, $0x11  }
0xbb: {  	s0 =	sor.u32 s1, s0  }
0xbc: {  	s0 =	sadd.s32 $0x8F2B, s0  }
0xbd: {  	[sflag:s0] =	ssyncadd.remote.s32 $0x1  }
0xbe: {  	_ =	sfence.sel $0xFFFF  }
0xbf: {  	[dreg:$0x0] =	wrdreg $0xFFFFFFFF;
	(pc) =	sbr.abs _section_cstart, $3  }
0xc0: {  	[dreg:$0x1] =	wrdreg $0xFFFFFFFF  }
0xc1: {  	_ =	task.clear_ibuf [dreg:s6], $0x2FFFF;
	_ =	strace $0x9FFFFFFF  }
0xc2: {  	(tm) =	ssettm $0x7FFFFFFF  }
0xc3: {  	_ =	shalt  }
tec
execute0_lowered:
.L_overlay_start_1:
0x0: {  	(tag) =	ssettag $0x1  }
0x1: {  	s5 =	rddreg [dreg:$0x0]  }
0x2: {  	s0 =	srdreg.scid;
	s2 =	rddreg [dreg:$0x1]  }
0x3: {  	s1 =	stileid.u32;
	s3 =	simm.s32 $0x0;
	s12 =	simm.s32 $0x50  }
0x4: {  	s13 =	simm.s32 $0x2B80;
	s14 =	simm.s32 $0x1;
	s6 =	sand.u32 $0x1, s0  }
0x5: {  	s0 =	rddreg [dreg:$0x2];
	s4 =	sshll.u32 s1, $0x1;
	s8 =	smul.u32 $0x13C00, s1  }
0x6: {  	[smem:$0x7FF] =	sst s3;
	s9 =	smul.u32 $0x4F000, s1;
	s10 =	sshll.u32 s1, $0x6  }
0x7: {  	s7 =	smul.u32 $0x13C000, s6;
	s4 =	sor.u32 s6, s4;
	s31 =	ssub.s32 $0x2, s6  }
0x8: {  	_ =	strace $0x80000047;
	s4 =	smul.u32 $0x4E2, s4;
	s6 =	sshrl.u32 s31, $0x1  }
0x9: {  	s9 =	sshrl.u32 s9, $0x2;
	s7 =	sadd.s32 s8, s7;
	s11 =	ssub.s32 s31, s6  }
0xa: {  	s9 =	sadd.s32 s9, s2;
	s30 =	sadd.s32 s4, s5;
	s7 =	sshrl.u32 s7, $0x3  }
0xb: {  	s4 =	sadd.s32 $0xBC00, s5;
	s8 =	smax.u32 s11, $0x1;
	s9 =	sshrl.u32 s9, $0x3  }
0xc: {  	s11 =	simm.s32 $0x400;
	s7 =	sadd.s32 s7, s5;
	s5 =	sor.u32 $0x1C02, s10  }
0xd: {  	v0 =	vimm.f32 $1.000000000e+00;
	s6 =	sadd.s32 $0x1E00, s30;
	s10 =	simm.s32 $0x2;
	s7 =	sadd.s32 $0xE400, s7  }
.LBB2_1:
0xe: {  	s15 =	simm.s32 $0x200;
	s16 =	simm.s32 $0x0  }
.LBB2_2:
0xf: {  	p0 =	sne.s32 s15, $0x9E00;
	[tilespmem:s16+$0x2B80] =	vst v0;
	s16 =	smov.u32 s15;
	s15 =	sadd.s32 $0x200, s15  }
.Ltmp0:
0x10: {  	(pc) =	sbr.rel @p0 .LBB2_2-.Ltmp0, $2  }
0x11: {  	_ =	sdelay $0x2  }
0x12: {  	s16 =	sshra.s32 s16, $0x2  }
0x13: {  	[tilespmem:s16+$0x2B80] =	vst v0  }
0x14: {  	[spmem:s9], [sflag:s5] =	dma.local [hbm:s4], $0x2780  }
0x15: {  	_ =	swait.ge [sflag:s10], $0x2780  }
0x16: {  	[sflag:s10] =	ssyncset.done $0x0  }
0x17: {  	s15 =	simm.s32 $0x0;
	[sflag:s10] =	ssyncadd.s32 $0xFFFFD880  }
0x18: {  	[tilespmem:s11], [sflag:$0x2] =	stream.linear.gather [hbm4b:s6+s15], $0x2710, $0x38;
	[tilespmem:$0x7B00] =	vst v63  }
0x19: {  	_ =	swait.ge [sflag:s10], $0x2710  }
0x1a: {  	[sflag:s10] =	ssyncset.done $0x0  }
0x1b: {  	p0 =	por $0x1, $0x1;
	[sflag:s10] =	ssyncadd.s32 $0xFFFFD8F0  }
0x1c: {  	s16 =	simm.s32 @!p0 $0x1;
	[bflag:$0x0] =	sbarrier.arrive $0xFFFF  }
0x1d: {  	_ =	swait.ge @!p0 [sflag:s16], $0x500  }
0x1e: {  	[sflag:s16] =	ssyncset.done @!p0 $0x0  }
0x1f: {  	s19 =	simm.s32 $0x420;
	[sflag:s16] =	ssyncadd.s32 @!p0 $0xFFFFFB00  }
0x20: {  	v1 =	vld [tilespmem:s19+$0xFFFFFFE0];
	_ =	sdelay $0x3  }
0x21: {  	s18 =	sand.u32 $0x380, s15  }
0x22: {  	[tilespmem:s18+$0x0] =	vst v1  }
0x23: {  	v1 =	vld [tilespmem:s19+$0xFFFFFFF0];
	_ =	sdelay $0x4  }
0x24: {  	[tilespmem:s18+$0x10] =	vst v1  }
0x25: {  	v1 =	vld [tilespmem:s19+$0x0];
	_ =	sdelay $0x4  }
0x26: {  	[tilespmem:s18+$0x20] =	vst v1  }
0x27: {  	v1 =	vld [tilespmem:s19+$0x10];
	_ =	sdelay $0x4  }
0x28: {  	[tilespmem:s18+$0x30] =	vst v1  }
0x29: {  	v1 =	vld [tilespmem:s19+$0x20];
	_ =	sdelay $0x2  }
0x2a: {  	s17 =	simm.s32 $0x2;
	p1 =	por $0x1, $0x1;
	s16 =	simm.s32 $0x470  }
.LBB2_4:
0x2b: {  	s19 =	simm.s32 @!p1 $0x1  }
0x2c: {  	[tilespmem:s18+$0x40] =	vst v1;
	s15 =	sadd.s32 $0x80, s15;
	s20 =	smov.u32 s17;
	s17 =	sadd.s32 $0x1, s17  }
0x2d: {  	[spmem:s2] =	stream.indirect.scatter.add.f32 [tilespmem:s13], [sflag:$0x1], $0x10, s18, s12, $0xb8;
	[tilespmem:$0x7B00] =	vst v63  }
0x2e: {  	p0 =	sne.s32 s17, $0x7D;
	_ =	swait.ge @!p1 [sflag:s19], $0x500  }
0x2f: {  	[sflag:s19] =	ssyncset.done @!p1 $0x0  }
0x30: {  	[sflag:s19] =	ssyncadd.s32 @!p1 $0xFFFFFB00  }
0x31: {  	v1 =	vld [tilespmem:s16+$0xFFFFFFE0];
	_ =	sdelay $0x3  }
0x32: {  	s18 =	sand.u32 $0x380, s15  }
0x33: {  	[tilespmem:s18+$0x0] =	vst v1  }
0x34: {  	v1 =	vld [tilespmem:s16+$0xFFFFFFF0];
	_ =	sdelay $0x4  }
0x35: {  	[tilespmem:s18+$0x10] =	vst v1  }
0x36: {  	v1 =	vld [tilespmem:s16+$0x0];
	_ =	sdelay $0x4  }
0x37: {  	[tilespmem:s18+$0x20] =	vst v1  }
0x38: {  	v1 =	vld [tilespmem:s16+$0x10];
	_ =	sdelay $0x4  }
0x39: {  	[tilespmem:s18+$0x30] =	vst v1  }
.Ltmp1:
0x3a: {  	v1 =	vld [tilespmem:s16+$0x20];
	(pc) =	sbr.rel @p0 .LBB2_4-.Ltmp1, $2  }
0x3b: {  	_ =	sdelay $0x2  }
0x3c: {  	p1 =	slt.u32 s20, $0x8;
	s16 =	sadd.s32 $0x50, s16  }
0x3d: {  	s17 =	simm.s32 @!p1 $0x1;
	[tilespmem:s18+$0x40] =	vst v1  }
0x3e: {  	[spmem:s2] =	stream.indirect.scatter.add.f32 [tilespmem:s13], [sflag:$0x1], $0x10, s18, s12, $0xb8;
	[tilespmem:$0x7B00] =	vst v63  }
0x3f: {  	_ =	swait.ge @!p1 [sflag:s17], $0x500  }
0x40: {  	[sflag:s17] =	ssyncset.done @!p1 $0x0  }
0x41: {  	[sflag:s17] =	ssyncadd.s32 @!p1 $0xFFFFFB00  }
0x42: {  	v1 =	vld [tilespmem:s16+$0xFFFFFFE0];
	_ =	sdelay $0x2  }
0x43: {  	s15 =	sadd.s32 $0x80, s15  }
0x44: {  	s15 =	sand.u32 $0x380, s15  }
0x45: {  	[tilespmem:s15+$0x0] =	vst v1  }
0x46: {  	v1 =	vld [tilespmem:s16+$0xFFFFFFF0];
	_ =	sdelay $0x4  }
0x47: {  	[tilespmem:s15+$0x10] =	vst v1  }
0x48: {  	v1 =	vld [tilespmem:s16+$0x0];
	_ =	sdelay $0x4  }
0x49: {  	[tilespmem:s15+$0x20] =	vst v1  }
0x4a: {  	v1 =	vld [tilespmem:s16+$0x10];
	_ =	sdelay $0x4  }
0x4b: {  	[tilespmem:s15+$0x30] =	vst v1  }
0x4c: {  	v1 =	vld [tilespmem:s16+$0x20];
	_ =	sdelay $0x4  }
0x4d: {  	[tilespmem:s15+$0x40] =	vst v1  }
0x4e: {  	[spmem:s2] =	stream.indirect.scatter.add.f32 [tilespmem:s13], [sflag:$0x1], $0x10, s15, s12, $0xb8;
	[tilespmem:$0x7B00] =	vst v63  }
0x4f: {  	_ =	swait.ge [sflag:s14], $0x500  }
0x50: {  	[sflag:s14] =	ssyncset.done $0x0  }
0x51: {  	[sflag:s14] =	ssyncadd.s32 $0xFFFFFB00  }
0x52: {  	_ =	swait.ge [sflag:s14], $0x500  }
0x53: {  	[sflag:s14] =	ssyncset.done $0x0  }
0x54: {  	[sflag:s14] =	ssyncadd.s32 $0xFFFFFB00  }
0x55: {  	_ =	swait.ge [sflag:s14], $0x500  }
0x56: {  	[sflag:s14] =	ssyncset.done $0x0  }
0x57: {  	[sflag:s14] =	ssyncadd.s32 $0xFFFFFB00  }
0x58: {  	_ =	swait.ge [sflag:s14], $0x500  }
0x59: {  	[sflag:s14] =	ssyncset.done $0x0  }
0x5a: {  	[sflag:s14] =	ssyncadd.s32 $0xFFFFFB00  }
0x5b: {  	_ =	swait.ge [sflag:s14], $0x500  }
0x5c: {  	[sflag:s14] =	ssyncset.done $0x0  }
0x5d: {  	[sflag:s14] =	ssyncadd.s32 $0xFFFFFB00  }
0x5e: {  	_ =	swait.ge [sflag:s14], $0x500  }
0x5f: {  	[sflag:s14] =	ssyncset.done $0x0  }
0x60: {  	[sflag:s14] =	ssyncadd.s32 $0xFFFFFB00  }
0x61: {  	_ =	swait.ge [sflag:s14], $0x500  }
0x62: {  	[sflag:s14] =	ssyncset.done $0x0  }
0x63: {  	[sflag:s14] =	ssyncadd.s32 $0xFFFFFB00  }
0x64: {  	_ =	swait.ge [sflag:s14], $0x500  }
0x65: {  	s3 =	sadd.s32 $0x1, s3;
	[sflag:s14] =	ssyncset.done $0x0  }
0x66: {  	p0 =	sne.s32 s3, s8;
	[sflag:s14] =	ssyncadd.s32 $0xFFFFFB00  }
.Ltmp2:
0x67: {  	[bflag:$0x0] =	sbarrier.arrive $0xFFFF;
	(pc) =	sbr.rel @p0 .LBB2_1-.Ltmp2, $4  }
0x68: {  	[hbm:s7], [sflag:s5] =	dma.local [spmem:s9], $0x2780  }
0x69: {  	_ =	swait.ge [sflag:s10], $0x2780  }
0x6a: {  	[sflag:s10] =	ssyncset.done $0x0  }
0x6b: {  	[sflag:s10] =	ssyncadd.s32 $0xFFFFD880  }
0x6c: {  	_ =	sfence.sel $0x180000  }
0x6d: {  	[bflag:$0x0] =	sbarrier.arrive $0xFFFF  }
0x6e: {  	p0 =	sne.s32 s1, $0x0;
	_ =	strace $0x90000047  }
0x6f: {  	s0 =	sadd.s32 @!p0 $0x100000, s0;
	[bflag:$0x2] =	sbarrier.arrive $0xFFFF  }
0x70: {  	[sflag:s0] =	ssyncadd.tile.s32 @!p0 $0x1;
	_ =	shalt  }
.Lfunc_end2:
_tile_overlayer_lowered:
.L_overlay_start_2:
0x71: {  	(tag) =	ssettag $0x2  }
0x72: {  	s0 =	rddreg [dreg:$0x0];
	s2 =	stileid.u32  }
0x73: {  	s1 =	rddreg [dreg:$0x1];
	p0 =	sne.s32 s2, $0x0  }
0x74: {  	s3 =	rddreg [dreg:$0x2];
	[bflag:$0x3] =	sbarrier.arrive $0xFFFF;
	s2 =	simm.s32 @!p0 $0x1C02  }
0x75: {  	[timem:s3], [sflag:s2] =	dma.local @!p0 [hbm:s0], s1  }
0x76: {  	s0 =	simm.s32 @!p0 $0x2  }
0x77: {  	_ =	swait.ge @!p0 [sflag:s0], s1  }
0x78: {  	s1 =	ssub.s32 @!p0 $0x0, s1;
	[sflag:s0] =	ssyncset.done @!p0 $0x0  }
0x79: {  	[sflag:s0] =	ssyncadd.s32 @!p0 s1  }
0x7a: {  	[bflag:$0x3] =	sbarrier.arrive $0xFFFF  }
0x7b: {  	_ =	shalt  }

</sc_bundles>
